<compile_context>
chip_gen: v7x
topology: tpu7x:2x2x1
jax: 0.10.2.dev20260603
libtpu: 0.0.44.dev20260713+nightly
codegen_flags: <defaults>
</compile_context>

<pallas_src>
import jax
import jax.numpy as jnp
from jax import lax
from jax.experimental import pallas as pl
from jax.experimental.pallas import tpu as pltpu
from jax.experimental.pallas import tpu_sc as plsc

N_TOTAL = 8192
C = 512
N_GROUPS = 16
GROUP_N = N_TOTAL // N_GROUPS

_NUM_WORKERS = 32
_ROWS_PER_WORKER = N_TOTAL // _NUM_WORKERS
_CHUNK = 64
_N_CHUNKS = _ROWS_PER_WORKER // _CHUNK
_N_BUFS = 3


def _score_perm_body(x_ref, idx_ref):
    g = pl.program_id(0)
    x = x_ref[...]

    n2 = jnp.sum(x * x, axis=1, keepdims=True)
    norm = jnp.maximum(jnp.sqrt(n2), 1e-12)
    y = x / norm

    sim = lax.dot_general(
        y, y, dimension_numbers=(((1,), (1,)), ((), ())),
        preferred_element_type=jnp.float32,
    )
    scores_col = jnp.sum(sim, axis=1, keepdims=True) / GROUP_N

    n_ids = lax.broadcasted_iota(jnp.int32, (GROUP_N, GROUP_N), 0)
    m_ids = lax.broadcasted_iota(jnp.int32, (GROUP_N, GROUP_N), 1)
    eye = (n_ids == m_ids).astype(jnp.float32)
    scores_row = lax.dot_general(
        scores_col, eye, dimension_numbers=(((0,), (0,)), ((), ())),
        preferred_element_type=jnp.float32,
    )

    gt = scores_row > scores_col
    eq = (scores_row == scores_col) & (m_ids < n_ids)
    rank = jnp.sum((gt | eq).astype(jnp.int32), axis=1, keepdims=True)

    onehot = rank == m_ids
    perm = jnp.sum(jnp.where(onehot, n_ids, 0), axis=0, keepdims=True)

    idx_ref[...] = (perm + g * GROUP_N).reshape(1, 1, GROUP_N)


def _sorted_indices(feats):
    return pl.pallas_call(
        _score_perm_body,
        grid=(N_GROUPS,),
        in_specs=[pl.BlockSpec((GROUP_N, C), lambda g: (g, 0))],
        out_specs=pl.BlockSpec((1, 1, GROUP_N), lambda g: (g, 0, 0)),
        out_shape=jax.ShapeDtypeStruct((N_GROUPS, 1, GROUP_N), jnp.int32),
    )(feats)


def _input_writer_body(x_ref, out_ref):
    g = pl.program_id(0)
    out_ref[pl.ds(g, 1), :] = x_ref[...].reshape(1, GROUP_N * C)


def _write_out_input(feats):
    return pl.pallas_call(
        _input_writer_body,
        grid=(N_GROUPS,),
        in_specs=[pl.BlockSpec((GROUP_N, C), lambda g: (g, 0))],
        out_specs=pl.BlockSpec((N_GROUPS, GROUP_N * C), lambda g: (0, 0)),
        out_shape=jax.ShapeDtypeStruct((N_GROUPS, GROUP_N * C), jnp.float32),
    )(feats)


def _gather_body(feats_hbm, idx_hbm, out_hbm, idx_v, rows0, rows1, rows2,
                 gsem0, gsem1, gsem2, wsem0, wsem1, wsem2):
    wid = lax.axis_index("s") * 2 + lax.axis_index("c")
    g = wid // 2
    half = wid % 2
    base = wid * _ROWS_PER_WORKER
    pltpu.sync_copy(idx_hbm.at[pl.ds(base, _ROWS_PER_WORKER)], idx_v)
    bufs = (rows0, rows1, rows2)
    gsems = (gsem0, gsem1, gsem2)
    wsems = (wsem0, wsem1, wsem2)
    gathers = [None] * _N_CHUNKS
    for c in range(_N_BUFS):
        gathers[c] = pltpu.async_copy(
            feats_hbm.at[idx_v.at[pl.ds(c * _CHUNK, _CHUNK)]], bufs[c], gsems[c])
    for c in range(_N_CHUNKS):
        b = c % _N_BUFS
        buf, ws = bufs[b], wsems[b]
        gathers[c].wait()
        col0 = (half * _ROWS_PER_WORKER + c * _CHUNK) * C

        @pl.loop(0, _CHUNK, unroll=8)
        def _row_write(r):
            pltpu.async_copy(
                buf.at[pl.ds(r, 1), :],
                out_hbm.at[pl.ds(g, 1), pl.ds(col0 + r * C, C)],
                ws)

        if c + _N_BUFS < _N_CHUNKS:
            pltpu.make_async_copy(feats_hbm.at[pl.ds(0, _CHUNK)], buf, ws).wait()
            gathers[c + _N_BUFS] = pltpu.async_copy(
                feats_hbm.at[idx_v.at[pl.ds((c + _N_BUFS) * _CHUNK, _CHUNK)]],
                buf, gsems[b])
    for c in range(max(0, _N_CHUNKS - _N_BUFS), _N_CHUNKS):
        b = c % _N_BUFS
        pltpu.make_async_copy(
            feats_hbm.at[pl.ds(0, _CHUNK)], bufs[b], wsems[b]).wait()


def _gather_rows(feats, idx):
    gather = pl.kernel(
        _gather_body,
        out_type=jax.ShapeDtypeStruct((N_GROUPS, GROUP_N * C), jnp.float32),
        scratch_types=[
            pltpu.VMEM((_ROWS_PER_WORKER,), jnp.int32),
            pltpu.VMEM((_CHUNK, C), jnp.float32),
            pltpu.VMEM((_CHUNK, C), jnp.float32),
            pltpu.VMEM((_CHUNK, C), jnp.float32),
            pltpu.SemaphoreType.DMA,
            pltpu.SemaphoreType.DMA,
            pltpu.SemaphoreType.DMA,
            pltpu.SemaphoreType.DMA,
            pltpu.SemaphoreType.DMA,
            pltpu.SemaphoreType.DMA,
        ],
        mesh=plsc.VectorSubcoreMesh(core_axis_name="c", subcore_axis_name="s"),
    )
    return gather(feats, idx)


def kernel(feats, labels, training):
    del labels, training
    idx = _sorted_indices(feats)
    out_sorted = _gather_rows(feats, idx.reshape(N_TOTAL))
    out_input = _write_out_input(feats)
    return (out_sorted, out_input)

# --- scband reference (transcript-rebuilt; emitter-appended) ---
"""Pipeline reference for scband-group-sorter-14972255994388 (READ-ONLY COPY).

The authoritative reference and input builder live on the scoring server;
editing this copy changes nothing except your own understanding.
"""

import jax, jax.numpy as jnp
import numpy as np

N_TOTAL = 8192
C = 512
N_GROUPS = 16
GROUP_N = N_TOTAL // N_GROUPS


def setup_inputs(seed: int = 0) -> dict:
    key = jax.random.key(seed)
    feats = jax.random.normal(key, (N_TOTAL, C), dtype=jnp.float32)
    # adjacent equal groups: same label = same group (sorted, in-range [0, 16))
    labels = jnp.repeat(jnp.arange(N_GROUPS, dtype=jnp.int32), GROUP_N)
    return {"feats": feats, "labels": labels, "training": jnp.asarray(True)}


def reference(feats, labels, training=True):
    # labels are sorted with contiguous equal-size groups; stable argsort is the
    # identity permutation, keeping the traced dependence on labels expressed.
    order = jnp.argsort(labels, stable=True)
    feats_ordered = feats[order]
    group_feat = feats_ordered.reshape(N_GROUPS, GROUP_N, C)

    group_flat = group_feat.reshape(N_GROUPS, GROUP_N, -1)
    # F.normalize(dim=1), eps=1e-12
    norm = jnp.maximum(jnp.linalg.norm(group_flat, axis=2, keepdims=True), 1e-12)
    group_flat = group_flat / norm
    sim_matrix = jnp.einsum("gnc,gmc->gnm", group_flat, group_flat)
    rel_scores = sim_matrix.mean(axis=2)
    sorted_indices = jnp.argsort(-rel_scores, axis=1)
    sorted_feat = jnp.take_along_axis(group_feat, sorted_indices[:, :, None], axis=1)

    out_sorted = sorted_feat.reshape(N_GROUPS, GROUP_N * C)
    out_input = group_feat.reshape(N_GROUPS, GROUP_N * C)
    out_sorted = jnp.where(training, out_sorted, jax.lax.stop_gradient(out_sorted))
    return (out_sorted, out_input)

if __name__ == "__main__":
    import jax
    _d = setup_inputs()
    print(jax.jit(kernel)(*tuple(_d.values())))

</pallas_src>

<mosaic_0001>
#map = affine_map<(d0, d1) -> (0, 0)>
#map1 = affine_map<(d0, d1) -> (0)>
module attributes {stable_mosaic.version = 14 : i64} {
  func.func @_gather_body(%arg0: i32, %arg1: i32, %arg2: memref<8192x512xf32, #tpu.memory_space<hbm>>, %arg3: memref<8192xi32, #tpu.memory_space<hbm>>, %arg4: memref<16x262144xf32, #tpu.memory_space<hbm>>, %arg5: memref<256xi32, #tpu.memory_space<vmem>>, %arg6: memref<64x512xf32, #tpu.memory_space<vmem>>, %arg7: memref<64x512xf32, #tpu.memory_space<vmem>>, %arg8: memref<64x512xf32, #tpu.memory_space<vmem>>, %arg9: memref<!tpu.dma_semaphore, #tpu.memory_space<semaphore_mem>>, %arg10: memref<!tpu.dma_semaphore, #tpu.memory_space<semaphore_mem>>, %arg11: memref<!tpu.dma_semaphore, #tpu.memory_space<semaphore_mem>>, %arg12: memref<!tpu.dma_semaphore, #tpu.memory_space<semaphore_mem>>, %arg13: memref<!tpu.dma_semaphore, #tpu.memory_space<semaphore_mem>>, %arg14: memref<!tpu.dma_semaphore, #tpu.memory_space<semaphore_mem>>) attributes {dimension_semantics = [#tpu.dimension_semantics<core_parallel>, #tpu.dimension_semantics<subcore_parallel>], iteration_bounds = array<i64: 2, 16>, scalar_prefetch = 0 : i64, scratch_operands = 10 : i64, tpu.core_type = #tpu.core_type<sc_vector_subcore>, window_params = [{transform_indices = #map}, {transform_indices = #map1}, {transform_indices = #map}]} {
    %mul3A = arith.constant 2 : i32
    %mul3A_0 = arith.muli %arg1, %mul3A : i32
    %add3A = arith.addi %mul3A_0, %arg0 : i32
    %jit3A = arith.constant 2 : i32
    %div3A = arith.divsi %add3A, %jit3A : i32
    %sign3A = arith.constant 0 : i32
    %sign3A_1 = arith.cmpi sgt, %add3A, %sign3A : i32
    %sign3A_2 = arith.extui %sign3A_1 : i1 to i32
    %sign3A_3 = arith.constant 0 : i32
    %sign3A_4 = arith.cmpi slt, %add3A, %sign3A_3 : i32
    %sign3A_5 = arith.extui %sign3A_4 : i1 to i32
    %sign3A_6 = arith.subi %sign3A_2, %sign3A_5 : i32
    %sign3A_7 = arith.constant 0 : i32
    %sign3A_8 = arith.cmpi sgt, %jit3A, %sign3A_7 : i32
    %sign3A_9 = arith.extui %sign3A_8 : i1 to i32
    %sign3A_10 = arith.constant 0 : i32
    %sign3A_11 = arith.cmpi slt, %jit3A, %sign3A_10 : i32
    %sign3A_12 = arith.extui %sign3A_11 : i1 to i32
    %sign3A_13 = arith.subi %sign3A_9, %sign3A_12 : i32
    %ne3A = arith.cmpi ne, %sign3A_6, %sign3A_13 : i32
    %rem3A = arith.remsi %add3A, %jit3A : i32
    %ne3A_14 = arith.constant 0 : i32
    %ne3A_15 = arith.cmpi ne, %rem3A, %ne3A_14 : i32
    %and3A = arith.andi %ne3A, %ne3A_15 : i1
    %sub3A = arith.constant 1 : i32
    %sub3A_16 = arith.subi %div3A, %sub3A : i32
    %select_n3A = arith.select %and3A, %sub3A_16, %div3A : i32
    %jit3A_17 = arith.constant 2 : i32
    %eq3A = arith.constant 0 : i32
    %eq3A_18 = arith.cmpi eq, %jit3A_17, %eq3A : i32
    %jit3A_19 = arith.constant 1 : i32
    %select_n3A_20 = arith.select %eq3A_18, %jit3A_19, %jit3A_17 : i32
    %rem3A_21 = arith.remsi %add3A, %select_n3A_20 : i32
    %ne3A_22 = arith.constant 0 : i32
    %ne3A_23 = arith.cmpi ne, %rem3A_21, %ne3A_22 : i32
    %lt3A = arith.constant 0 : i32
    %lt3A_24 = arith.cmpi slt, %rem3A_21, %lt3A : i32
    %lt3A_25 = arith.constant 0 : i32
    %lt3A_26 = arith.cmpi slt, %select_n3A_20, %lt3A_25 : i32
    %ne3A_27 = arith.xori %lt3A_24, %lt3A_26 : i1
    %and3A_28 = arith.andi %ne3A_27, %ne3A_23 : i1
    %add3A_29 = arith.addi %rem3A_21, %select_n3A_20 : i32
    %select_n3A_30 = arith.select %and3A_28, %add3A_29, %rem3A_21 : i32
    %mul3A_31 = arith.constant 256 : i32
    %mul3A_32 = arith.muli %add3A, %mul3A_31 : i32
    "tpu.region"() ({
      %run_scoped3A = tpu.sem_alloc : memref<!tpu.dma_semaphore, #tpu.memory_space<semaphore_mem>>
      %dma_start3A_138 = tpu.memref_slice %arg3[%mul3A_32] : memref<8192xi32, #tpu.memory_space<hbm>> -> memref<256xi32, #tpu.memory_space<hbm>>
      %dma_start3A_139 = tpu.memref_slice %arg3[%mul3A_32] : memref<8192xi32, #tpu.memory_space<hbm>> -> memref<256xi32, #tpu.memory_space<hbm>>
      tpu.enqueue_dma source(%dma_start3A_139 : memref<256xi32, #tpu.memory_space<hbm>>) target(%arg5 : memref<256xi32, #tpu.memory_space<vmem>>) target_semaphore(%run_scoped3A : memref<!tpu.dma_semaphore, #tpu.memory_space<semaphore_mem>>)
      %dma_wait3A_140 = tpu.memref_slice %arg3[%mul3A_32] : memref<8192xi32, #tpu.memory_space<hbm>> -> memref<256xi32, #tpu.memory_space<hbm>>
      %dma_wait3A_141 = tpu.memref_slice %arg3[%mul3A_32] : memref<8192xi32, #tpu.memory_space<hbm>> -> memref<256xi32, #tpu.memory_space<hbm>>
      tpu.wait_dma2 semaphore(%run_scoped3A : memref<!tpu.dma_semaphore, #tpu.memory_space<semaphore_mem>>) src(%dma_wait3A_141 : memref<256xi32, #tpu.memory_space<hbm>>) dst(%arg5 : memref<256xi32, #tpu.memory_space<vmem>>)
      tpu.yield
    }) : () -> ()
    %dma_start3A = arith.constant 0 : i32
    %dma_start3A_33 = tpu.memref_slice %arg5[%dma_start3A] : memref<256xi32, #tpu.memory_space<vmem>> -> memref<64xi32, #tpu.memory_space<vmem>>
    %dma_start3A_34 = arith.constant 0 : i32
    %dma_start3A_35 = arith.constant 0 : i32
    %dma_start3A_36 = tpu.memref_slice %arg2[%dma_start3A_34, %dma_start3A_35] : memref<8192x512xf32, #tpu.memory_space<hbm>> -> memref<8192x512xf32, #tpu.memory_space<hbm>>
    tpu.enqueue_indirect_dma source(%dma_start3A_36 : memref<8192x512xf32, #tpu.memory_space<hbm>>) target(%arg6 : memref<64x512xf32, #tpu.memory_space<vmem>>) offsets(%dma_start3A_33 : memref<64xi32, #tpu.memory_space<vmem>>) semaphore(%arg9 : memref<!tpu.dma_semaphore, #tpu.memory_space<semaphore_mem>>)
    %dma_start3A_37 = arith.constant 64 : i32
    %dma_start3A_38 = tpu.memref_slice %arg5[%dma_start3A_37] : memref<256xi32, #tpu.memory_space<vmem>> -> memref<64xi32, #tpu.memory_space<vmem>>
    %dma_start3A_39 = arith.constant 0 : i32
    %dma_start3A_40 = arith.constant 0 : i32
    %dma_start3A_41 = tpu.memref_slice %arg2[%dma_start3A_39, %dma_start3A_40] : memref<8192x512xf32, #tpu.memory_space<hbm>> -> memref<8192x512xf32, #tpu.memory_space<hbm>>
    tpu.enqueue_indirect_dma source(%dma_start3A_41 : memref<8192x512xf32, #tpu.memory_space<hbm>>) target(%arg7 : memref<64x512xf32, #tpu.memory_space<vmem>>) offsets(%dma_start3A_38 : memref<64xi32, #tpu.memory_space<vmem>>) semaphore(%arg10 : memref<!tpu.dma_semaphore, #tpu.memory_space<semaphore_mem>>)
    %dma_start3A_42 = arith.constant 128 : i32
    %dma_start3A_43 = tpu.memref_slice %arg5[%dma_start3A_42] : memref<256xi32, #tpu.memory_space<vmem>> -> memref<64xi32, #tpu.memory_space<vmem>>
    %dma_start3A_44 = arith.constant 0 : i32
    %dma_start3A_45 = arith.constant 0 : i32
    %dma_start3A_46 = tpu.memref_slice %arg2[%dma_start3A_44, %dma_start3A_45] : memref<8192x512xf32, #tpu.memory_space<hbm>> -> memref<8192x512xf32, #tpu.memory_space<hbm>>
    tpu.enqueue_indirect_dma source(%dma_start3A_46 : memref<8192x512xf32, #tpu.memory_space<hbm>>) target(%arg8 : memref<64x512xf32, #tpu.memory_space<vmem>>) offsets(%dma_start3A_43 : memref<64xi32, #tpu.memory_space<vmem>>) semaphore(%arg11 : memref<!tpu.dma_semaphore, #tpu.memory_space<semaphore_mem>>)
    %dma_wait3A = arith.constant 0 : i32
    %dma_wait3A_47 = tpu.memref_slice %arg5[%dma_wait3A] : memref<256xi32, #tpu.memory_space<vmem>> -> memref<64xi32, #tpu.memory_space<vmem>>
    %dma_wait3A_48 = arith.constant 0 : i32
    %dma_wait3A_49 = arith.constant 0 : i32
    %dma_wait3A_50 = tpu.memref_slice %arg2[%dma_wait3A_48, %dma_wait3A_49] : memref<8192x512xf32, #tpu.memory_space<hbm>> -> memref<8192x512xf32, #tpu.memory_space<hbm>>
    tpu.wait_indirect_dma semaphore(%arg9 : memref<!tpu.dma_semaphore, #tpu.memory_space<semaphore_mem>>) src(%dma_wait3A_50 : memref<8192x512xf32, #tpu.memory_space<hbm>>) dst(%arg6 : memref<64x512xf32, #tpu.memory_space<vmem>>)
    %mul3A_51 = arith.constant 256 : i32
    %mul3A_52 = arith.muli %select_n3A_30, %mul3A_51 : i32
    %add3A_53 = arith.constant 0 : i32
    %add3A_54 = arith.addi %mul3A_52, %add3A_53 : i32
    %mul3A_55 = arith.constant 512 : i32
    %mul3A_56 = arith.muli %add3A_54, %mul3A_55 : i32
    %scan3A = arith.constant 0 : i32
    %scan3A_57 = arith.constant 64 : i32
    %scan3A_58 = arith.addi %scan3A, %scan3A_57 : i32
    %scan3A_59 = arith.constant 8 : i32
    scf.for %scan3A_138 = %scan3A to %scan3A_58 step %scan3A_59  : i32 {
      %mul3A_139 = arith.constant 1 : i32
      %mul3A_140 = arith.muli %scan3A_138, %mul3A_139 : i32
      %add3A_141 = arith.constant 0 : i32
      %add3A_142 = arith.addi %add3A_141, %mul3A_140 : i32
      %mul3A_143 = arith.constant 512 : i32
      %mul3A_144 = arith.muli %add3A_142, %mul3A_143 : i32
      %add3A_145 = arith.addi %mul3A_56, %mul3A_144 : i32
      %dma_start3A_146 = arith.constant 0 : i32
      %dma_start3A_147 = tpu.memref_slice %arg6[%add3A_142, %dma_start3A_146] : memref<64x512xf32, #tpu.memory_space<vmem>> -> memref<1x512xf32, #tpu.memory_space<vmem>>
      %dma_start3A_148 = tpu.memref_slice %arg4[%select_n3A, %add3A_145] : memref<16x262144xf32, #tpu.memory_space<hbm>> -> memref<1x512xf32, #tpu.memory_space<hbm>>
      %dma_start3A_149 = tpu.memref_slice %arg4[%select_n3A, %add3A_145] : memref<16x262144xf32, #tpu.memory_space<hbm>> -> memref<1x512xf32, #tpu.memory_space<hbm>>
      %dma_start3A_150 = arith.constant 0 : i32
      %dma_start3A_151 = tpu.memref_slice %arg6[%add3A_142, %dma_start3A_150] : memref<64x512xf32, #tpu.memory_space<vmem>> -> memref<1x512xf32, #tpu.memory_space<vmem>>
      tpu.enqueue_dma source(%dma_start3A_151 : memref<1x512xf32, #tpu.memory_space<vmem>>) target(%dma_start3A_149 : memref<1x512xf32, #tpu.memory_space<hbm>>) target_semaphore(%arg12 : memref<!tpu.dma_semaphore, #tpu.memory_space<semaphore_mem>>)
      %scan3A_152 = arith.constant 1 : i32
      %scan3A_153 = arith.addi %scan3A_138, %scan3A_152 : i32
      %mul3A_154 = arith.constant 1 : i32
      %mul3A_155 = arith.muli %scan3A_153, %mul3A_154 : i32
      %add3A_156 = arith.constant 0 : i32
      %add3A_157 = arith.addi %add3A_156, %mul3A_155 : i32
      %mul3A_158 = arith.constant 512 : i32
      %mul3A_159 = arith.muli %add3A_157, %mul3A_158 : i32
      %add3A_160 = arith.addi %mul3A_56, %mul3A_159 : i32
      %dma_start3A_161 = arith.constant 0 : i32
      %dma_start3A_162 = tpu.memref_slice %arg6[%add3A_157, %dma_start3A_161] : memref<64x512xf32, #tpu.memory_space<vmem>> -> memref<1x512xf32, #tpu.memory_space<vmem>>
      %dma_start3A_163 = tpu.memref_slice %arg4[%select_n3A, %add3A_160] : memref<16x262144xf32, #tpu.memory_space<hbm>> -> memref<1x512xf32, #tpu.memory_space<hbm>>
      %dma_start3A_164 = tpu.memref_slice %arg4[%select_n3A, %add3A_160] : memref<16x262144xf32, #tpu.memory_space<hbm>> -> memref<1x512xf32, #tpu.memory_space<hbm>>
      %dma_start3A_165 = arith.constant 0 : i32
      %dma_start3A_166 = tpu.memref_slice %arg6[%add3A_157, %dma_start3A_165] : memref<64x512xf32, #tpu.memory_space<vmem>> -> memref<1x512xf32, #tpu.memory_space<vmem>>
      tpu.enqueue_dma source(%dma_start3A_166 : memref<1x512xf32, #tpu.memory_space<vmem>>) target(%dma_start3A_164 : memref<1x512xf32, #tpu.memory_space<hbm>>) target_semaphore(%arg12 : memref<!tpu.dma_semaphore, #tpu.memory_space<semaphore_mem>>)
      %scan3A_167 = arith.constant 2 : i32
      %scan3A_168 = arith.addi %scan3A_138, %scan3A_167 : i32
      %mul3A_169 = arith.constant 1 : i32
      %mul3A_170 = arith.muli %scan3A_168, %mul3A_169 : i32
      %add3A_171 = arith.constant 0 : i32
      %add3A_172 = arith.addi %add3A_171, %mul3A_170 : i32
      %mul3A_173 = arith.constant 512 : i32
      %mul3A_174 = arith.muli %add3A_172, %mul3A_173 : i32
      %add3A_175 = arith.addi %mul3A_56, %mul3A_174 : i32
      %dma_start3A_176 = arith.constant 0 : i32
      %dma_start3A_177 = tpu.memref_slice %arg6[%add3A_172, %dma_start3A_176] : memref<64x512xf32, #tpu.memory_space<vmem>> -> memref<1x512xf32, #tpu.memory_space<vmem>>
      %dma_start3A_178 = tpu.memref_slice %arg4[%select_n3A, %add3A_175] : memref<16x262144xf32, #tpu.memory_space<hbm>> -> memref<1x512xf32, #tpu.memory_space<hbm>>
      %dma_start3A_179 = tpu.memref_slice %arg4[%select_n3A, %add3A_175] : memref<16x262144xf32, #tpu.memory_space<hbm>> -> memref<1x512xf32, #tpu.memory_space<hbm>>
      %dma_start3A_180 = arith.constant 0 : i32
      %dma_start3A_181 = tpu.memref_slice %arg6[%add3A_172, %dma_start3A_180] : memref<64x512xf32, #tpu.memory_space<vmem>> -> memref<1x512xf32, #tpu.memory_space<vmem>>
      tpu.enqueue_dma source(%dma_start3A_181 : memref<1x512xf32, #tpu.memory_space<vmem>>) target(%dma_start3A_179 : memref<1x512xf32, #tpu.memory_space<hbm>>) target_semaphore(%arg12 : memref<!tpu.dma_semaphore, #tpu.memory_space<semaphore_mem>>)
      %scan3A_182 = arith.constant 3 : i32
      %scan3A_183 = arith.addi %scan3A_138, %scan3A_182 : i32
      %mul3A_184 = arith.constant 1 : i32
      %mul3A_185 = arith.muli %scan3A_183, %mul3A_184 : i32
      %add3A_186 = arith.constant 0 : i32
      %add3A_187 = arith.addi %add3A_186, %mul3A_185 : i32
      %mul3A_188 = arith.constant 512 : i32
      %mul3A_189 = arith.muli %add3A_187, %mul3A_188 : i32
      %add3A_190 = arith.addi %mul3A_56, %mul3A_189 : i32
      %dma_start3A_191 = arith.constant 0 : i32
      %dma_start3A_192 = tpu.memref_slice %arg6[%add3A_187, %dma_start3A_191] : memref<64x512xf32, #tpu.memory_space<vmem>> -> memref<1x512xf32, #tpu.memory_space<vmem>>
      %dma_start3A_193 = tpu.memref_slice %arg4[%select_n3A, %add3A_190] : memref<16x262144xf32, #tpu.memory_space<hbm>> -> memref<1x512xf32, #tpu.memory_space<hbm>>
      %dma_start3A_194 = tpu.memref_slice %arg4[%select_n3A, %add3A_190] : memref<16x262144xf32, #tpu.memory_space<hbm>> -> memref<1x512xf32, #tpu.memory_space<hbm>>
      %dma_start3A_195 = arith.constant 0 : i32
      %dma_start3A_196 = tpu.memref_slice %arg6[%add3A_187, %dma_start3A_195] : memref<64x512xf32, #tpu.memory_space<vmem>> -> memref<1x512xf32, #tpu.memory_space<vmem>>
      tpu.enqueue_dma source(%dma_start3A_196 : memref<1x512xf32, #tpu.memory_space<vmem>>) target(%dma_start3A_194 : memref<1x512xf32, #tpu.memory_space<hbm>>) target_semaphore(%arg12 : memref<!tpu.dma_semaphore, #tpu.memory_space<semaphore_mem>>)
      %scan3A_197 = arith.constant 4 : i32
      %scan3A_198 = arith.addi %scan3A_138, %scan3A_197 : i32
      %mul3A_199 = arith.constant 1 : i32
      %mul3A_200 = arith.muli %scan3A_198, %mul3A_199 : i32
      %add3A_201 = arith.constant 0 : i32
      %add3A_202 = arith.addi %add3A_201, %mul3A_200 : i32
      %mul3A_203 = arith.constant 512 : i32
      %mul3A_204 = arith.muli %add3A_202, %mul3A_203 : i32
      %add3A_205 = arith.addi %mul3A_56, %mul3A_204 : i32
      %dma_start3A_206 = arith.constant 0 : i32
      %dma_start3A_207 = tpu.memref_slice %arg6[%add3A_202, %dma_start3A_206] : memref<64x512xf32, #tpu.memory_space<vmem>> -> memref<1x512xf32, #tpu.memory_space<vmem>>
      %dma_start3A_208 = tpu.memref_slice %arg4[%select_n3A, %add3A_205] : memref<16x262144xf32, #tpu.memory_space<hbm>> -> memref<1x512xf32, #tpu.memory_space<hbm>>
      %dma_start3A_209 = tpu.memref_slice %arg4[%select_n3A, %add3A_205] : memref<16x262144xf32, #tpu.memory_space<hbm>> -> memref<1x512xf32, #tpu.memory_space<hbm>>
      %dma_start3A_210 = arith.constant 0 : i32
      %dma_start3A_211 = tpu.memref_slice %arg6[%add3A_202, %dma_start3A_210] : memref<64x512xf32, #tpu.memory_space<vmem>> -> memref<1x512xf32, #tpu.memory_space<vmem>>
      tpu.enqueue_dma source(%dma_start3A_211 : memref<1x512xf32, #tpu.memory_space<vmem>>) target(%dma_start3A_209 : memref<1x512xf32, #tpu.memory_space<hbm>>) target_semaphore(%arg12 : memref<!tpu.dma_semaphore, #tpu.memory_space<semaphore_mem>>)
      %scan3A_212 = arith.constant 5 : i32
      %scan3A_213 = arith.addi %scan3A_138, %scan3A_212 : i32
      %mul3A_214 = arith.constant 1 : i32
      %mul3A_215 = arith.muli %scan3A_213, %mul3A_214 : i32
      %add3A_216 = arith.constant 0 : i32
      %add3A_217 = arith.addi %add3A_216, %mul3A_215 : i32
      %mul3A_218 = arith.constant 512 : i32
      %mul3A_219 = arith.muli %add3A_217, %mul3A_218 : i32
      %add3A_220 = arith.addi %mul3A_56, %mul3A_219 : i32
      %dma_start3A_221 = arith.constant 0 : i32
      %dma_start3A_222 = tpu.memref_slice %arg6[%add3A_217, %dma_start3A_221] : memref<64x512xf32, #tpu.memory_space<vmem>> -> memref<1x512xf32, #tpu.memory_space<vmem>>
      %dma_start3A_223 = tpu.memref_slice %arg4[%select_n3A, %add3A_220] : memref<16x262144xf32, #tpu.memory_space<hbm>> -> memref<1x512xf32, #tpu.memory_space<hbm>>
      %dma_start3A_224 = tpu.memref_slice %arg4[%select_n3A, %add3A_220] : memref<16x262144xf32, #tpu.memory_space<hbm>> -> memref<1x512xf32, #tpu.memory_space<hbm>>
      %dma_start3A_225 = arith.constant 0 : i32
      %dma_start3A_226 = tpu.memref_slice %arg6[%add3A_217, %dma_start3A_225] : memref<64x512xf32, #tpu.memory_space<vmem>> -> memref<1x512xf32, #tpu.memory_space<vmem>>
      tpu.enqueue_dma source(%dma_start3A_226 : memref<1x512xf32, #tpu.memory_space<vmem>>) target(%dma_start3A_224 : memref<1x512xf32, #tpu.memory_space<hbm>>) target_semaphore(%arg12 : memref<!tpu.dma_semaphore, #tpu.memory_space<semaphore_mem>>)
      %scan3A_227 = arith.constant 6 : i32
      %scan3A_228 = arith.addi %scan3A_138, %scan3A_227 : i32
      %mul3A_229 = arith.constant 1 : i32
      %mul3A_230 = arith.muli %scan3A_228, %mul3A_229 : i32
      %add3A_231 = arith.constant 0 : i32
      %add3A_232 = arith.addi %add3A_231, %mul3A_230 : i32
      %mul3A_233 = arith.constant 512 : i32
      %mul3A_234 = arith.muli %add3A_232, %mul3A_233 : i32
      %add3A_235 = arith.addi %mul3A_56, %mul3A_234 : i32
      %dma_start3A_236 = arith.constant 0 : i32
      %dma_start3A_237 = tpu.memref_slice %arg6[%add3A_232, %dma_start3A_236] : memref<64x512xf32, #tpu.memory_space<vmem>> -> memref<1x512xf32, #tpu.memory_space<vmem>>
      %dma_start3A_238 = tpu.memref_slice %arg4[%select_n3A, %add3A_235] : memref<16x262144xf32, #tpu.memory_space<hbm>> -> memref<1x512xf32, #tpu.memory_space<hbm>>
      %dma_start3A_239 = tpu.memref_slice %arg4[%select_n3A, %add3A_235] : memref<16x262144xf32, #tpu.memory_space<hbm>> -> memref<1x512xf32, #tpu.memory_space<hbm>>
      %dma_start3A_240 = arith.constant 0 : i32
      %dma_start3A_241 = tpu.memref_slice %arg6[%add3A_232, %dma_start3A_240] : memref<64x512xf32, #tpu.memory_space<vmem>> -> memref<1x512xf32, #tpu.memory_space<vmem>>
      tpu.enqueue_dma source(%dma_start3A_241 : memref<1x512xf32, #tpu.memory_space<vmem>>) target(%dma_start3A_239 : memref<1x512xf32, #tpu.memory_space<hbm>>) target_semaphore(%arg12 : memref<!tpu.dma_semaphore, #tpu.memory_space<semaphore_mem>>)
      %scan3A_242 = arith.constant 7 : i32
      %scan3A_243 = arith.addi %scan3A_138, %scan3A_242 : i32
      %mul3A_244 = arith.constant 1 : i32
      %mul3A_245 = arith.muli %scan3A_243, %mul3A_244 : i32
      %add3A_246 = arith.constant 0 : i32
      %add3A_247 = arith.addi %add3A_246, %mul3A_245 : i32
      %mul3A_248 = arith.constant 512 : i32
      %mul3A_249 = arith.muli %add3A_247, %mul3A_248 : i32
      %add3A_250 = arith.addi %mul3A_56, %mul3A_249 : i32
      %dma_start3A_251 = arith.constant 0 : i32
      %dma_start3A_252 = tpu.memref_slice %arg6[%add3A_247, %dma_start3A_251] : memref<64x512xf32, #tpu.memory_space<vmem>> -> memref<1x512xf32, #tpu.memory_space<vmem>>
      %dma_start3A_253 = tpu.memref_slice %arg4[%select_n3A, %add3A_250] : memref<16x262144xf32, #tpu.memory_space<hbm>> -> memref<1x512xf32, #tpu.memory_space<hbm>>
      %dma_start3A_254 = tpu.memref_slice %arg4[%select_n3A, %add3A_250] : memref<16x262144xf32, #tpu.memory_space<hbm>> -> memref<1x512xf32, #tpu.memory_space<hbm>>
      %dma_start3A_255 = arith.constant 0 : i32
      %dma_start3A_256 = tpu.memref_slice %arg6[%add3A_247, %dma_start3A_255] : memref<64x512xf32, #tpu.memory_space<vmem>> -> memref<1x512xf32, #tpu.memory_space<vmem>>
      tpu.enqueue_dma source(%dma_start3A_256 : memref<1x512xf32, #tpu.memory_space<vmem>>) target(%dma_start3A_254 : memref<1x512xf32, #tpu.memory_space<hbm>>) target_semaphore(%arg12 : memref<!tpu.dma_semaphore, #tpu.memory_space<semaphore_mem>>)
    }
    %scan3A_60 = arith.constant 64 : i32
    %dma_wait3A_61 = arith.constant 0 : i32
    %dma_wait3A_62 = arith.constant 0 : i32
    %dma_wait3A_63 = tpu.memref_slice %arg2[%dma_wait3A_61, %dma_wait3A_62] : memref<8192x512xf32, #tpu.memory_space<hbm>> -> memref<64x512xf32, #tpu.memory_space<hbm>>
    %dma_wait3A_64 = arith.constant 0 : i32
    %dma_wait3A_65 = arith.constant 0 : i32
    %dma_wait3A_66 = tpu.memref_slice %arg2[%dma_wait3A_64, %dma_wait3A_65] : memref<8192x512xf32, #tpu.memory_space<hbm>> -> memref<64x512xf32, #tpu.memory_space<hbm>>
    tpu.wait_dma2 semaphore(%arg12 : memref<!tpu.dma_semaphore, #tpu.memory_space<semaphore_mem>>) src(%dma_wait3A_66 : memref<64x512xf32, #tpu.memory_space<hbm>>) dst(%arg6 : memref<64x512xf32, #tpu.memory_space<vmem>>)
    %dma_start3A_67 = arith.constant 192 : i32
    %dma_start3A_68 = tpu.memref_slice %arg5[%dma_start3A_67] : memref<256xi32, #tpu.memory_space<vmem>> -> memref<64xi32, #tpu.memory_space<vmem>>
    %dma_start3A_69 = arith.constant 0 : i32
    %dma_start3A_70 = arith.constant 0 : i32
    %dma_start3A_71 = tpu.memref_slice %arg2[%dma_start3A_69, %dma_start3A_70] : memref<8192x512xf32, #tpu.memory_space<hbm>> -> memref<8192x512xf32, #tpu.memory_space<hbm>>
    tpu.enqueue_indirect_dma source(%dma_start3A_71 : memref<8192x512xf32, #tpu.memory_space<hbm>>) target(%arg6 : memref<64x512xf32, #tpu.memory_space<vmem>>) offsets(%dma_start3A_68 : memref<64xi32, #tpu.memory_space<vmem>>) semaphore(%arg9 : memref<!tpu.dma_semaphore, #tpu.memory_space<semaphore_mem>>)
    %dma_wait3A_72 = arith.constant 64 : i32
    %dma_wait3A_73 = tpu.memref_slice %arg5[%dma_wait3A_72] : memref<256xi32, #tpu.memory_space<vmem>> -> memref<64xi32, #tpu.memory_space<vmem>>
    %dma_wait3A_74 = arith.constant 0 : i32
    %dma_wait3A_75 = arith.constant 0 : i32
    %dma_wait3A_76 = tpu.memref_slice %arg2[%dma_wait3A_74, %dma_wait3A_75] : memref<8192x512xf32, #tpu.memory_space<hbm>> -> memref<8192x512xf32, #tpu.memory_space<hbm>>
    tpu.wait_indirect_dma semaphore(%arg10 : memref<!tpu.dma_semaphore, #tpu.memory_space<semaphore_mem>>) src(%dma_wait3A_76 : memref<8192x512xf32, #tpu.memory_space<hbm>>) dst(%arg7 : memref<64x512xf32, #tpu.memory_space<vmem>>)
    %mul3A_77 = arith.constant 256 : i32
    %mul3A_78 = arith.muli %select_n3A_30, %mul3A_77 : i32
    %add3A_79 = arith.constant 64 : i32
    %add3A_80 = arith.addi %mul3A_78, %add3A_79 : i32
    %mul3A_81 = arith.constant 512 : i32
    %mul3A_82 = arith.muli %add3A_80, %mul3A_81 : i32
    %scan3A_83 = arith.constant 0 : i32
    %scan3A_84 = arith.constant 64 : i32
    %scan3A_85 = arith.addi %scan3A_83, %scan3A_84 : i32
    %scan3A_86 = arith.constant 8 : i32
    scf.for %scan3A_138 = %scan3A_83 to %scan3A_85 step %scan3A_86  : i32 {
      %mul3A_139 = arith.constant 1 : i32
      %mul3A_140 = arith.muli %scan3A_138, %mul3A_139 : i32
      %add3A_141 = arith.constant 0 : i32
      %add3A_142 = arith.addi %add3A_141, %mul3A_140 : i32
      %mul3A_143 = arith.constant 512 : i32
      %mul3A_144 = arith.muli %add3A_142, %mul3A_143 : i32
      %add3A_145 = arith.addi %mul3A_82, %mul3A_144 : i32
      %dma_start3A_146 = arith.constant 0 : i32
      %dma_start3A_147 = tpu.memref_slice %arg7[%add3A_142, %dma_start3A_146] : memref<64x512xf32, #tpu.memory_space<vmem>> -> memref<1x512xf32, #tpu.memory_space<vmem>>
      %dma_start3A_148 = tpu.memref_slice %arg4[%select_n3A, %add3A_145] : memref<16x262144xf32, #tpu.memory_space<hbm>> -> memref<1x512xf32, #tpu.memory_space<hbm>>
      %dma_start3A_149 = tpu.memref_slice %arg4[%select_n3A, %add3A_145] : memref<16x262144xf32, #tpu.memory_space<hbm>> -> memref<1x512xf32, #tpu.memory_space<hbm>>
      %dma_start3A_150 = arith.constant 0 : i32
      %dma_start3A_151 = tpu.memref_slice %arg7[%add3A_142, %dma_start3A_150] : memref<64x512xf32, #tpu.memory_space<vmem>> -> memref<1x512xf32, #tpu.memory_space<vmem>>
      tpu.enqueue_dma source(%dma_start3A_151 : memref<1x512xf32, #tpu.memory_space<vmem>>) target(%dma_start3A_149 : memref<1x512xf32, #tpu.memory_space<hbm>>) target_semaphore(%arg13 : memref<!tpu.dma_semaphore, #tpu.memory_space<semaphore_mem>>)
      %scan3A_152 = arith.constant 1 : i32
      %scan3A_153 = arith.addi %scan3A_138, %scan3A_152 : i32
      %mul3A_154 = arith.constant 1 : i32
      %mul3A_155 = arith.muli %scan3A_153, %mul3A_154 : i32
      %add3A_156 = arith.constant 0 : i32
      %add3A_157 = arith.addi %add3A_156, %mul3A_155 : i32
      %mul3A_158 = arith.constant 512 : i32
      %mul3A_159 = arith.muli %add3A_157, %mul3A_158 : i32
      %add3A_160 = arith.addi %mul3A_82, %mul3A_159 : i32
      %dma_start3A_161 = arith.constant 0 : i32
      %dma_start3A_162 = tpu.memref_slice %arg7[%add3A_157, %dma_start3A_161] : memref<64x512xf32, #tpu.memory_space<vmem>> -> memref<1x512xf32, #tpu.memory_space<vmem>>
      %dma_start3A_163 = tpu.memref_slice %arg4[%select_n3A, %add3A_160] : memref<16x262144xf32, #tpu.memory_space<hbm>> -> memref<1x512xf32, #tpu.memory_space<hbm>>
      %dma_start3A_164 = tpu.memref_slice %arg4[%select_n3A, %add3A_160] : memref<16x262144xf32, #tpu.memory_space<hbm>> -> memref<1x512xf32, #tpu.memory_space<hbm>>
      %dma_start3A_165 = arith.constant 0 : i32
      %dma_start3A_166 = tpu.memref_slice %arg7[%add3A_157, %dma_start3A_165] : memref<64x512xf32, #tpu.memory_space<vmem>> -> memref<1x512xf32, #tpu.memory_space<vmem>>
      tpu.enqueue_dma source(%dma_start3A_166 : memref<1x512xf32, #tpu.memory_space<vmem>>) target(%dma_start3A_164 : memref<1x512xf32, #tpu.memory_space<hbm>>) target_semaphore(%arg13 : memref<!tpu.dma_semaphore, #tpu.memory_space<semaphore_mem>>)
      %scan3A_167 = arith.constant 2 : i32
      %scan3A_168 = arith.addi %scan3A_138, %scan3A_167 : i32
      %mul3A_169 = arith.constant 1 : i32
      %mul3A_170 = arith.muli %scan3A_168, %mul3A_169 : i32
      %add3A_171 = arith.constant 0 : i32
      %add3A_172 = arith.addi %add3A_171, %mul3A_170 : i32
      %mul3A_173 = arith.constant 512 : i32
      %mul3A_174 = arith.muli %add3A_172, %mul3A_173 : i32
      %add3A_175 = arith.addi %mul3A_82, %mul3A_174 : i32
      %dma_start3A_176 = arith.constant 0 : i32
      %dma_start3A_177 = tpu.memref_slice %arg7[%add3A_172, %dma_start3A_176] : memref<64x512xf32, #tpu.memory_space<vmem>> -> memref<1x512xf32, #tpu.memory_space<vmem>>
      %dma_start3A_178 = tpu.memref_slice %arg4[%select_n3A, %add3A_175] : memref<16x262144xf32, #tpu.memory_space<hbm>> -> memref<1x512xf32, #tpu.memory_space<hbm>>
      %dma_start3A_179 = tpu.memref_slice %arg4[%select_n3A, %add3A_175] : memref<16x262144xf32, #tpu.memory_space<hbm>> -> memref<1x512xf32, #tpu.memory_space<hbm>>
      %dma_start3A_180 = arith.constant 0 : i32
      %dma_start3A_181 = tpu.memref_slice %arg7[%add3A_172, %dma_start3A_180] : memref<64x512xf32, #tpu.memory_space<vmem>> -> memref<1x512xf32, #tpu.memory_space<vmem>>
      tpu.enqueue_dma source(%dma_start3A_181 : memref<1x512xf32, #tpu.memory_space<vmem>>) target(%dma_start3A_179 : memref<1x512xf32, #tpu.memory_space<hbm>>) target_semaphore(%arg13 : memref<!tpu.dma_semaphore, #tpu.memory_space<semaphore_mem>>)
      %scan3A_182 = arith.constant 3 : i32
      %scan3A_183 = arith.addi %scan3A_138, %scan3A_182 : i32
      %mul3A_184 = arith.constant 1 : i32
      %mul3A_185 = arith.muli %scan3A_183, %mul3A_184 : i32
      %add3A_186 = arith.constant 0 : i32
      %add3A_187 = arith.addi %add3A_186, %mul3A_185 : i32
      %mul3A_188 = arith.constant 512 : i32
      %mul3A_189 = arith.muli %add3A_187, %mul3A_188 : i32
      %add3A_190 = arith.addi %mul3A_82, %mul3A_189 : i32
      %dma_start3A_191 = arith.constant 0 : i32
      %dma_start3A_192 = tpu.memref_slice %arg7[%add3A_187, %dma_start3A_191] : memref<64x512xf32, #tpu.memory_space<vmem>> -> memref<1x512xf32, #tpu.memory_space<vmem>>
      %dma_start3A_193 = tpu.memref_slice %arg4[%select_n3A, %add3A_190] : memref<16x262144xf32, #tpu.memory_space<hbm>> -> memref<1x512xf32, #tpu.memory_space<hbm>>
      %dma_start3A_194 = tpu.memref_slice %arg4[%select_n3A, %add3A_190] : memref<16x262144xf32, #tpu.memory_space<hbm>> -> memref<1x512xf32, #tpu.memory_space<hbm>>
      %dma_start3A_195 = arith.constant 0 : i32
      %dma_start3A_196 = tpu.memref_slice %arg7[%add3A_187, %dma_start3A_195] : memref<64x512xf32, #tpu.memory_space<vmem>> -> memref<1x512xf32, #tpu.memory_space<vmem>>
      tpu.enqueue_dma source(%dma_start3A_196 : memref<1x512xf32, #tpu.memory_space<vmem>>) target(%dma_start3A_194 : memref<1x512xf32, #tpu.memory_space<hbm>>) target_semaphore(%arg13 : memref<!tpu.dma_semaphore, #tpu.memory_space<semaphore_mem>>)
      %scan3A_197 = arith.constant 4 : i32
      %scan3A_198 = arith.addi %scan3A_138, %scan3A_197 : i32
      %mul3A_199 = arith.constant 1 : i32
      %mul3A_200 = arith.muli %scan3A_198, %mul3A_199 : i32
      %add3A_201 = arith.constant 0 : i32
      %add3A_202 = arith.addi %add3A_201, %mul3A_200 : i32
      %mul3A_203 = arith.constant 512 : i32
      %mul3A_204 = arith.muli %add3A_202, %mul3A_203 : i32
      %add3A_205 = arith.addi %mul3A_82, %mul3A_204 : i32
      %dma_start3A_206 = arith.constant 0 : i32
      %dma_start3A_207 = tpu.memref_slice %arg7[%add3A_202, %dma_start3A_206] : memref<64x512xf32, #tpu.memory_space<vmem>> -> memref<1x512xf32, #tpu.memory_space<vmem>>
      %dma_start3A_208 = tpu.memref_slice %arg4[%select_n3A, %add3A_205] : memref<16x262144xf32, #tpu.memory_space<hbm>> -> memref<1x512xf32, #tpu.memory_space<hbm>>
      %dma_start3A_209 = tpu.memref_slice %arg4[%select_n3A, %add3A_205] : memref<16x262144xf32, #tpu.memory_space<hbm>> -> memref<1x512xf32, #tpu.memory_space<hbm>>
      %dma_start3A_210 = arith.constant 0 : i32
      %dma_start3A_211 = tpu.memref_slice %arg7[%add3A_202, %dma_start3A_210] : memref<64x512xf32, #tpu.memory_space<vmem>> -> memref<1x512xf32, #tpu.memory_space<vmem>>
      tpu.enqueue_dma source(%dma_start3A_211 : memref<1x512xf32, #tpu.memory_space<vmem>>) target(%dma_start3A_209 : memref<1x512xf32, #tpu.memory_space<hbm>>) target_semaphore(%arg13 : memref<!tpu.dma_semaphore, #tpu.memory_space<semaphore_mem>>)
      %scan3A_212 = arith.constant 5 : i32
      %scan3A_213 = arith.addi %scan3A_138, %scan3A_212 : i32
      %mul3A_214 = arith.constant 1 : i32
      %mul3A_215 = arith.muli %scan3A_213, %mul3A_214 : i32
      %add3A_216 = arith.constant 0 : i32
      %add3A_217 = arith.addi %add3A_216, %mul3A_215 : i32
      %mul3A_218 = arith.constant 512 : i32
      %mul3A_219 = arith.muli %add3A_217, %mul3A_218 : i32
      %add3A_220 = arith.addi %mul3A_82, %mul3A_219 : i32
      %dma_start3A_221 = arith.constant 0 : i32
      %dma_start3A_222 = tpu.memref_slice %arg7[%add3A_217, %dma_start3A_221] : memref<64x512xf32, #tpu.memory_space<vmem>> -> memref<1x512xf32, #tpu.memory_space<vmem>>
      %dma_start3A_223 = tpu.memref_slice %arg4[%select_n3A, %add3A_220] : memref<16x262144xf32, #tpu.memory_space<hbm>> -> memref<1x512xf32, #tpu.memory_space<hbm>>
      %dma_start3A_224 = tpu.memref_slice %arg4[%select_n3A, %add3A_220] : memref<16x262144xf32, #tpu.memory_space<hbm>> -> memref<1x512xf32, #tpu.memory_space<hbm>>
      %dma_start3A_225 = arith.constant 0 : i32
      %dma_start3A_226 = tpu.memref_slice %arg7[%add3A_217, %dma_start3A_225] : memref<64x512xf32, #tpu.memory_space<vmem>> -> memref<1x512xf32, #tpu.memory_space<vmem>>
      tpu.enqueue_dma source(%dma_start3A_226 : memref<1x512xf32, #tpu.memory_space<vmem>>) target(%dma_start3A_224 : memref<1x512xf32, #tpu.memory_space<hbm>>) target_semaphore(%arg13 : memref<!tpu.dma_semaphore, #tpu.memory_space<semaphore_mem>>)
      %scan3A_227 = arith.constant 6 : i32
      %scan3A_228 = arith.addi %scan3A_138, %scan3A_227 : i32
      %mul3A_229 = arith.constant 1 : i32
      %mul3A_230 = arith.muli %scan3A_228, %mul3A_229 : i32
      %add3A_231 = arith.constant 0 : i32
      %add3A_232 = arith.addi %add3A_231, %mul3A_230 : i32
      %mul3A_233 = arith.constant 512 : i32
      %mul3A_234 = arith.muli %add3A_232, %mul3A_233 : i32
      %add3A_235 = arith.addi %mul3A_82, %mul3A_234 : i32
      %dma_start3A_236 = arith.constant 0 : i32
      %dma_start3A_237 = tpu.memref_slice %arg7[%add3A_232, %dma_start3A_236] : memref<64x512xf32, #tpu.memory_space<vmem>> -> memref<1x512xf32, #tpu.memory_space<vmem>>
      %dma_start3A_238 = tpu.memref_slice %arg4[%select_n3A, %add3A_235] : memref<16x262144xf32, #tpu.memory_space<hbm>> -> memref<1x512xf32, #tpu.memory_space<hbm>>
      %dma_start3A_239 = tpu.memref_slice %arg4[%select_n3A, %add3A_235] : memref<16x262144xf32, #tpu.memory_space<hbm>> -> memref<1x512xf32, #tpu.memory_space<hbm>>
      %dma_start3A_240 = arith.constant 0 : i32
      %dma_start3A_241 = tpu.memref_slice %arg7[%add3A_232, %dma_start3A_240] : memref<64x512xf32, #tpu.memory_space<vmem>> -> memref<1x512xf32, #tpu.memory_space<vmem>>
      tpu.enqueue_dma source(%dma_start3A_241 : memref<1x512xf32, #tpu.memory_space<vmem>>) target(%dma_start3A_239 : memref<1x512xf32, #tpu.memory_space<hbm>>) target_semaphore(%arg13 : memref<!tpu.dma_semaphore, #tpu.memory_space<semaphore_mem>>)
      %scan3A_242 = arith.constant 7 : i32
      %scan3A_243 = arith.addi %scan3A_138, %scan3A_242 : i32
      %mul3A_244 = arith.constant 1 : i32
      %mul3A_245 = arith.muli %scan3A_243, %mul3A_244 : i32
      %add3A_246 = arith.constant 0 : i32
      %add3A_247 = arith.addi %add3A_246, %mul3A_245 : i32
      %mul3A_248 = arith.constant 512 : i32
      %mul3A_249 = arith.muli %add3A_247, %mul3A_248 : i32
      %add3A_250 = arith.addi %mul3A_82, %mul3A_249 : i32
      %dma_start3A_251 = arith.constant 0 : i32
      %dma_start3A_252 = tpu.memref_slice %arg7[%add3A_247, %dma_start3A_251] : memref<64x512xf32, #tpu.memory_space<vmem>> -> memref<1x512xf32, #tpu.memory_space<vmem>>
      %dma_start3A_253 = tpu.memref_slice %arg4[%select_n3A, %add3A_250] : memref<16x262144xf32, #tpu.memory_space<hbm>> -> memref<1x512xf32, #tpu.memory_space<hbm>>
      %dma_start3A_254 = tpu.memref_slice %arg4[%select_n3A, %add3A_250] : memref<16x262144xf32, #tpu.memory_space<hbm>> -> memref<1x512xf32, #tpu.memory_space<hbm>>
      %dma_start3A_255 = arith.constant 0 : i32
      %dma_start3A_256 = tpu.memref_slice %arg7[%add3A_247, %dma_start3A_255] : memref<64x512xf32, #tpu.memory_space<vmem>> -> memref<1x512xf32, #tpu.memory_space<vmem>>
      tpu.enqueue_dma source(%dma_start3A_256 : memref<1x512xf32, #tpu.memory_space<vmem>>) target(%dma_start3A_254 : memref<1x512xf32, #tpu.memory_space<hbm>>) target_semaphore(%arg13 : memref<!tpu.dma_semaphore, #tpu.memory_space<semaphore_mem>>)
    }
    %scan3A_87 = arith.constant 64 : i32
    %dma_wait3A_88 = arith.constant 128 : i32
    %dma_wait3A_89 = tpu.memref_slice %arg5[%dma_wait3A_88] : memref<256xi32, #tpu.memory_space<vmem>> -> memref<64xi32, #tpu.memory_space<vmem>>
    %dma_wait3A_90 = arith.constant 0 : i32
    %dma_wait3A_91 = arith.constant 0 : i32
    %dma_wait3A_92 = tpu.memref_slice %arg2[%dma_wait3A_90, %dma_wait3A_91] : memref<8192x512xf32, #tpu.memory_space<hbm>> -> memref<8192x512xf32, #tpu.memory_space<hbm>>
    tpu.wait_indirect_dma semaphore(%arg11 : memref<!tpu.dma_semaphore, #tpu.memory_space<semaphore_mem>>) src(%dma_wait3A_92 : memref<8192x512xf32, #tpu.memory_space<hbm>>) dst(%arg8 : memref<64x512xf32, #tpu.memory_space<vmem>>)
    %mul3A_93 = arith.constant 256 : i32
    %mul3A_94 = arith.muli %select_n3A_30, %mul3A_93 : i32
    %add3A_95 = arith.constant 128 : i32
    %add3A_96 = arith.addi %mul3A_94, %add3A_95 : i32
    %mul3A_97 = arith.constant 512 : i32
    %mul3A_98 = arith.muli %add3A_96, %mul3A_97 : i32
    %scan3A_99 = arith.constant 0 : i32
    %scan3A_100 = arith.constant 64 : i32
    %scan3A_101 = arith.addi %scan3A_99, %scan3A_100 : i32
    %scan3A_102 = arith.constant 8 : i32
    scf.for %scan3A_138 = %scan3A_99 to %scan3A_101 step %scan3A_102  : i32 {
      %mul3A_139 = arith.constant 1 : i32
      %mul3A_140 = arith.muli %scan3A_138, %mul3A_139 : i32
      %add3A_141 = arith.constant 0 : i32
      %add3A_142 = arith.addi %add3A_141, %mul3A_140 : i32
      %mul3A_143 = arith.constant 512 : i32
      %mul3A_144 = arith.muli %add3A_142, %mul3A_143 : i32
      %add3A_145 = arith.addi %mul3A_98, %mul3A_144 : i32
      %dma_start3A_146 = arith.constant 0 : i32
      %dma_start3A_147 = tpu.memref_slice %arg8[%add3A_142, %dma_start3A_146] : memref<64x512xf32, #tpu.memory_space<vmem>> -> memref<1x512xf32, #tpu.memory_space<vmem>>
      %dma_start3A_148 = tpu.memref_slice %arg4[%select_n3A, %add3A_145] : memref<16x262144xf32, #tpu.memory_space<hbm>> -> memref<1x512xf32, #tpu.memory_space<hbm>>
      %dma_start3A_149 = tpu.memref_slice %arg4[%select_n3A, %add3A_145] : memref<16x262144xf32, #tpu.memory_space<hbm>> -> memref<1x512xf32, #tpu.memory_space<hbm>>
      %dma_start3A_150 = arith.constant 0 : i32
      %dma_start3A_151 = tpu.memref_slice %arg8[%add3A_142, %dma_start3A_150] : memref<64x512xf32, #tpu.memory_space<vmem>> -> memref<1x512xf32, #tpu.memory_space<vmem>>
      tpu.enqueue_dma source(%dma_start3A_151 : memref<1x512xf32, #tpu.memory_space<vmem>>) target(%dma_start3A_149 : memref<1x512xf32, #tpu.memory_space<hbm>>) target_semaphore(%arg14 : memref<!tpu.dma_semaphore, #tpu.memory_space<semaphore_mem>>)
      %scan3A_152 = arith.constant 1 : i32
      %scan3A_153 = arith.addi %scan3A_138, %scan3A_152 : i32
      %mul3A_154 = arith.constant 1 : i32
      %mul3A_155 = arith.muli %scan3A_153, %mul3A_154 : i32
      %add3A_156 = arith.constant 0 : i32
      %add3A_157 = arith.addi %add3A_156, %mul3A_155 : i32
      %mul3A_158 = arith.constant 512 : i32
      %mul3A_159 = arith.muli %add3A_157, %mul3A_158 : i32
      %add3A_160 = arith.addi %mul3A_98, %mul3A_159 : i32
      %dma_start3A_161 = arith.constant 0 : i32
      %dma_start3A_162 = tpu.memref_slice %arg8[%add3A_157, %dma_start3A_161] : memref<64x512xf32, #tpu.memory_space<vmem>> -> memref<1x512xf32, #tpu.memory_space<vmem>>
      %dma_start3A_163 = tpu.memref_slice %arg4[%select_n3A, %add3A_160] : memref<16x262144xf32, #tpu.memory_space<hbm>> -> memref<1x512xf32, #tpu.memory_space<hbm>>
      %dma_start3A_164 = tpu.memref_slice %arg4[%select_n3A, %add3A_160] : memref<16x262144xf32, #tpu.memory_space<hbm>> -> memref<1x512xf32, #tpu.memory_space<hbm>>
      %dma_start3A_165 = arith.constant 0 : i32
      %dma_start3A_166 = tpu.memref_slice %arg8[%add3A_157, %dma_start3A_165] : memref<64x512xf32, #tpu.memory_space<vmem>> -> memref<1x512xf32, #tpu.memory_space<vmem>>
      tpu.enqueue_dma source(%dma_start3A_166 : memref<1x512xf32, #tpu.memory_space<vmem>>) target(%dma_start3A_164 : memref<1x512xf32, #tpu.memory_space<hbm>>) target_semaphore(%arg14 : memref<!tpu.dma_semaphore, #tpu.memory_space<semaphore_mem>>)
      %scan3A_167 = arith.constant 2 : i32
      %scan3A_168 = arith.addi %scan3A_138, %scan3A_167 : i32
      %mul3A_169 = arith.constant 1 : i32
      %mul3A_170 = arith.muli %scan3A_168, %mul3A_169 : i32
      %add3A_171 = arith.constant 0 : i32
      %add3A_172 = arith.addi %add3A_171, %mul3A_170 : i32
      %mul3A_173 = arith.constant 512 : i32
      %mul3A_174 = arith.muli %add3A_172, %mul3A_173 : i32
      %add3A_175 = arith.addi %mul3A_98, %mul3A_174 : i32
      %dma_start3A_176 = arith.constant 0 : i32
      %dma_start3A_177 = tpu.memref_slice %arg8[%add3A_172, %dma_start3A_176] : memref<64x512xf32, #tpu.memory_space<vmem>> -> memref<1x512xf32, #tpu.memory_space<vmem>>
      %dma_start3A_178 = tpu.memref_slice %arg4[%select_n3A, %add3A_175] : memref<16x262144xf32, #tpu.memory_space<hbm>> -> memref<1x512xf32, #tpu.memory_space<hbm>>
      %dma_start3A_179 = tpu.memref_slice %arg4[%select_n3A, %add3A_175] : memref<16x262144xf32, #tpu.memory_space<hbm>> -> memref<1x512xf32, #tpu.memory_space<hbm>>
      %dma_start3A_180 = arith.constant 0 : i32
      %dma_start3A_181 = tpu.memref_slice %arg8[%add3A_172, %dma_start3A_180] : memref<64x512xf32, #tpu.memory_space<vmem>> -> memref<1x512xf32, #tpu.memory_space<vmem>>
      tpu.enqueue_dma source(%dma_start3A_181 : memref<1x512xf32, #tpu.memory_space<vmem>>) target(%dma_start3A_179 : memref<1x512xf32, #tpu.memory_space<hbm>>) target_semaphore(%arg14 : memref<!tpu.dma_semaphore, #tpu.memory_space<semaphore_mem>>)
      %scan3A_182 = arith.constant 3 : i32
      %scan3A_183 = arith.addi %scan3A_138, %scan3A_182 : i32
      %mul3A_184 = arith.constant 1 : i32
      %mul3A_185 = arith.muli %scan3A_183, %mul3A_184 : i32
      %add3A_186 = arith.constant 0 : i32
      %add3A_187 = arith.addi %add3A_186, %mul3A_185 : i32
      %mul3A_188 = arith.constant 512 : i32
      %mul3A_189 = arith.muli %add3A_187, %mul3A_188 : i32
      %add3A_190 = arith.addi %mul3A_98, %mul3A_189 : i32
      %dma_start3A_191 = arith.constant 0 : i32
      %dma_start3A_192 = tpu.memref_slice %arg8[%add3A_187, %dma_start3A_191] : memref<64x512xf32, #tpu.memory_space<vmem>> -> memref<1x512xf32, #tpu.memory_space<vmem>>
      %dma_start3A_193 = tpu.memref_slice %arg4[%select_n3A, %add3A_190] : memref<16x262144xf32, #tpu.memory_space<hbm>> -> memref<1x512xf32, #tpu.memory_space<hbm>>
      %dma_start3A_194 = tpu.memref_slice %arg4[%select_n3A, %add3A_190] : memref<16x262144xf32, #tpu.memory_space<hbm>> -> memref<1x512xf32, #tpu.memory_space<hbm>>
      %dma_start3A_195 = arith.constant 0 : i32
      %dma_start3A_196 = tpu.memref_slice %arg8[%add3A_187, %dma_start3A_195] : memref<64x512xf32, #tpu.memory_space<vmem>> -> memref<1x512xf32, #tpu.memory_space<vmem>>
      tpu.enqueue_dma source(%dma_start3A_196 : memref<1x512xf32, #tpu.memory_space<vmem>>) target(%dma_start3A_194 : memref<1x512xf32, #tpu.memory_space<hbm>>) target_semaphore(%arg14 : memref<!tpu.dma_semaphore, #tpu.memory_space<semaphore_mem>>)
      %scan3A_197 = arith.constant 4 : i32
      %scan3A_198 = arith.addi %scan3A_138, %scan3A_197 : i32
      %mul3A_199 = arith.constant 1 : i32
      %mul3A_200 = arith.muli %scan3A_198, %mul3A_199 : i32
      %add3A_201 = arith.constant 0 : i32
      %add3A_202 = arith.addi %add3A_201, %mul3A_200 : i32
      %mul3A_203 = arith.constant 512 : i32
      %mul3A_204 = arith.muli %add3A_202, %mul3A_203 : i32
      %add3A_205 = arith.addi %mul3A_98, %mul3A_204 : i32
      %dma_start3A_206 = arith.constant 0 : i32
      %dma_start3A_207 = tpu.memref_slice %arg8[%add3A_202, %dma_start3A_206] : memref<64x512xf32, #tpu.memory_space<vmem>> -> memref<1x512xf32, #tpu.memory_space<vmem>>
      %dma_start3A_208 = tpu.memref_slice %arg4[%select_n3A, %add3A_205] : memref<16x262144xf32, #tpu.memory_space<hbm>> -> memref<1x512xf32, #tpu.memory_space<hbm>>
      %dma_start3A_209 = tpu.memref_slice %arg4[%select_n3A, %add3A_205] : memref<16x262144xf32, #tpu.memory_space<hbm>> -> memref<1x512xf32, #tpu.memory_space<hbm>>
      %dma_start3A_210 = arith.constant 0 : i32
      %dma_start3A_211 = tpu.memref_slice %arg8[%add3A_202, %dma_start3A_210] : memref<64x512xf32, #tpu.memory_space<vmem>> -> memref<1x512xf32, #tpu.memory_space<vmem>>
      tpu.enqueue_dma source(%dma_start3A_211 : memref<1x512xf32, #tpu.memory_space<vmem>>) target(%dma_start3A_209 : memref<1x512xf32, #tpu.memory_space<hbm>>) target_semaphore(%arg14 : memref<!tpu.dma_semaphore, #tpu.memory_space<semaphore_mem>>)
      %scan3A_212 = arith.constant 5 : i32
      %scan3A_213 = arith.addi %scan3A_138, %scan3A_212 : i32
      %mul3A_214 = arith.constant 1 : i32
      %mul3A_215 = arith.muli %scan3A_213, %mul3A_214 : i32
      %add3A_216 = arith.constant 0 : i32
      %add3A_217 = arith.addi %add3A_216, %mul3A_215 : i32
      %mul3A_218 = arith.constant 512 : i32
      %mul3A_219 = arith.muli %add3A_217, %mul3A_218 : i32
      %add3A_220 = arith.addi %mul3A_98, %mul3A_219 : i32
      %dma_start3A_221 = arith.constant 0 : i32
      %dma_start3A_222 = tpu.memref_slice %arg8[%add3A_217, %dma_start3A_221] : memref<64x512xf32, #tpu.memory_space<vmem>> -> memref<1x512xf32, #tpu.memory_space<vmem>>
      %dma_start3A_223 = tpu.memref_slice %arg4[%select_n3A, %add3A_220] : memref<16x262144xf32, #tpu.memory_space<hbm>> -> memref<1x512xf32, #tpu.memory_space<hbm>>
      %dma_start3A_224 = tpu.memref_slice %arg4[%select_n3A, %add3A_220] : memref<16x262144xf32, #tpu.memory_space<hbm>> -> memref<1x512xf32, #tpu.memory_space<hbm>>
      %dma_start3A_225 = arith.constant 0 : i32
      %dma_start3A_226 = tpu.memref_slice %arg8[%add3A_217, %dma_start3A_225] : memref<64x512xf32, #tpu.memory_space<vmem>> -> memref<1x512xf32, #tpu.memory_space<vmem>>
      tpu.enqueue_dma source(%dma_start3A_226 : memref<1x512xf32, #tpu.memory_space<vmem>>) target(%dma_start3A_224 : memref<1x512xf32, #tpu.memory_space<hbm>>) target_semaphore(%arg14 : memref<!tpu.dma_semaphore, #tpu.memory_space<semaphore_mem>>)
      %scan3A_227 = arith.constant 6 : i32
      %scan3A_228 = arith.addi %scan3A_138, %scan3A_227 : i32
      %mul3A_229 = arith.constant 1 : i32
      %mul3A_230 = arith.muli %scan3A_228, %mul3A_229 : i32
      %add3A_231 = arith.constant 0 : i32
      %add3A_232 = arith.addi %add3A_231, %mul3A_230 : i32
      %mul3A_233 = arith.constant 512 : i32
      %mul3A_234 = arith.muli %add3A_232, %mul3A_233 : i32
      %add3A_235 = arith.addi %mul3A_98, %mul3A_234 : i32
      %dma_start3A_236 = arith.constant 0 : i32
      %dma_start3A_237 = tpu.memref_slice %arg8[%add3A_232, %dma_start3A_236] : memref<64x512xf32, #tpu.memory_space<vmem>> -> memref<1x512xf32, #tpu.memory_space<vmem>>
      %dma_start3A_238 = tpu.memref_slice %arg4[%select_n3A, %add3A_235] : memref<16x262144xf32, #tpu.memory_space<hbm>> -> memref<1x512xf32, #tpu.memory_space<hbm>>
      %dma_start3A_239 = tpu.memref_slice %arg4[%select_n3A, %add3A_235] : memref<16x262144xf32, #tpu.memory_space<hbm>> -> memref<1x512xf32, #tpu.memory_space<hbm>>
      %dma_start3A_240 = arith.constant 0 : i32
      %dma_start3A_241 = tpu.memref_slice %arg8[%add3A_232, %dma_start3A_240] : memref<64x512xf32, #tpu.memory_space<vmem>> -> memref<1x512xf32, #tpu.memory_space<vmem>>
      tpu.enqueue_dma source(%dma_start3A_241 : memref<1x512xf32, #tpu.memory_space<vmem>>) target(%dma_start3A_239 : memref<1x512xf32, #tpu.memory_space<hbm>>) target_semaphore(%arg14 : memref<!tpu.dma_semaphore, #tpu.memory_space<semaphore_mem>>)
      %scan3A_242 = arith.constant 7 : i32
      %scan3A_243 = arith.addi %scan3A_138, %scan3A_242 : i32
      %mul3A_244 = arith.constant 1 : i32
      %mul3A_245 = arith.muli %scan3A_243, %mul3A_244 : i32
      %add3A_246 = arith.constant 0 : i32
      %add3A_247 = arith.addi %add3A_246, %mul3A_245 : i32
      %mul3A_248 = arith.constant 512 : i32
      %mul3A_249 = arith.muli %add3A_247, %mul3A_248 : i32
      %add3A_250 = arith.addi %mul3A_98, %mul3A_249 : i32
      %dma_start3A_251 = arith.constant 0 : i32
      %dma_start3A_252 = tpu.memref_slice %arg8[%add3A_247, %dma_start3A_251] : memref<64x512xf32, #tpu.memory_space<vmem>> -> memref<1x512xf32, #tpu.memory_space<vmem>>
      %dma_start3A_253 = tpu.memref_slice %arg4[%select_n3A, %add3A_250] : memref<16x262144xf32, #tpu.memory_space<hbm>> -> memref<1x512xf32, #tpu.memory_space<hbm>>
      %dma_start3A_254 = tpu.memref_slice %arg4[%select_n3A, %add3A_250] : memref<16x262144xf32, #tpu.memory_space<hbm>> -> memref<1x512xf32, #tpu.memory_space<hbm>>
      %dma_start3A_255 = arith.constant 0 : i32
      %dma_start3A_256 = tpu.memref_slice %arg8[%add3A_247, %dma_start3A_255] : memref<64x512xf32, #tpu.memory_space<vmem>> -> memref<1x512xf32, #tpu.memory_space<vmem>>
      tpu.enqueue_dma source(%dma_start3A_256 : memref<1x512xf32, #tpu.memory_space<vmem>>) target(%dma_start3A_254 : memref<1x512xf32, #tpu.memory_space<hbm>>) target_semaphore(%arg14 : memref<!tpu.dma_semaphore, #tpu.memory_space<semaphore_mem>>)
    }
    %scan3A_103 = arith.constant 64 : i32
    %dma_wait3A_104 = arith.constant 192 : i32
    %dma_wait3A_105 = tpu.memref_slice %arg5[%dma_wait3A_104] : memref<256xi32, #tpu.memory_space<vmem>> -> memref<64xi32, #tpu.memory_space<vmem>>
    %dma_wait3A_106 = arith.constant 0 : i32
    %dma_wait3A_107 = arith.constant 0 : i32
    %dma_wait3A_108 = tpu.memref_slice %arg2[%dma_wait3A_106, %dma_wait3A_107] : memref<8192x512xf32, #tpu.memory_space<hbm>> -> memref<8192x512xf32, #tpu.memory_space<hbm>>
    tpu.wait_indirect_dma semaphore(%arg9 : memref<!tpu.dma_semaphore, #tpu.memory_space<semaphore_mem>>) src(%dma_wait3A_108 : memref<8192x512xf32, #tpu.memory_space<hbm>>) dst(%arg6 : memref<64x512xf32, #tpu.memory_space<vmem>>)
    %mul3A_109 = arith.constant 256 : i32
    %mul3A_110 = arith.muli %select_n3A_30, %mul3A_109 : i32
    %add3A_111 = arith.constant 192 : i32
    %add3A_112 = arith.addi %mul3A_110, %add3A_111 : i32
    %mul3A_113 = arith.constant 512 : i32
    %mul3A_114 = arith.muli %add3A_112, %mul3A_113 : i32
    %scan3A_115 = arith.constant 0 : i32
    %scan3A_116 = arith.constant 64 : i32
    %scan3A_117 = arith.addi %scan3A_115, %scan3A_116 : i32
    %scan3A_118 = arith.constant 8 : i32
    scf.for %scan3A_138 = %scan3A_115 to %scan3A_117 step %scan3A_118  : i32 {
      %mul3A_139 = arith.constant 1 : i32
      %mul3A_140 = arith.muli %scan3A_138, %mul3A_139 : i32
      %add3A_141 = arith.constant 0 : i32
      %add3A_142 = arith.addi %add3A_141, %mul3A_140 : i32
      %mul3A_143 = arith.constant 512 : i32
      %mul3A_144 = arith.muli %add3A_142, %mul3A_143 : i32
      %add3A_145 = arith.addi %mul3A_114, %mul3A_144 : i32
      %dma_start3A_146 = arith.constant 0 : i32
      %dma_start3A_147 = tpu.memref_slice %arg6[%add3A_142, %dma_start3A_146] : memref<64x512xf32, #tpu.memory_space<vmem>> -> memref<1x512xf32, #tpu.memory_space<vmem>>
      %dma_start3A_148 = tpu.memref_slice %arg4[%select_n3A, %add3A_145] : memref<16x262144xf32, #tpu.memory_space<hbm>> -> memref<1x512xf32, #tpu.memory_space<hbm>>
      %dma_start3A_149 = tpu.memref_slice %arg4[%select_n3A, %add3A_145] : memref<16x262144xf32, #tpu.memory_space<hbm>> -> memref<1x512xf32, #tpu.memory_space<hbm>>
      %dma_start3A_150 = arith.constant 0 : i32
      %dma_start3A_151 = tpu.memref_slice %arg6[%add3A_142, %dma_start3A_150] : memref<64x512xf32, #tpu.memory_space<vmem>> -> memref<1x512xf32, #tpu.memory_space<vmem>>
      tpu.enqueue_dma source(%dma_start3A_151 : memref<1x512xf32, #tpu.memory_space<vmem>>) target(%dma_start3A_149 : memref<1x512xf32, #tpu.memory_space<hbm>>) target_semaphore(%arg12 : memref<!tpu.dma_semaphore, #tpu.memory_space<semaphore_mem>>)
      %scan3A_152 = arith.constant 1 : i32
      %scan3A_153 = arith.addi %scan3A_138, %scan3A_152 : i32
      %mul3A_154 = arith.constant 1 : i32
      %mul3A_155 = arith.muli %scan3A_153, %mul3A_154 : i32
      %add3A_156 = arith.constant 0 : i32
      %add3A_157 = arith.addi %add3A_156, %mul3A_155 : i32
      %mul3A_158 = arith.constant 512 : i32
      %mul3A_159 = arith.muli %add3A_157, %mul3A_158 : i32
      %add3A_160 = arith.addi %mul3A_114, %mul3A_159 : i32
      %dma_start3A_161 = arith.constant 0 : i32
      %dma_start3A_162 = tpu.memref_slice %arg6[%add3A_157, %dma_start3A_161] : memref<64x512xf32, #tpu.memory_space<vmem>> -> memref<1x512xf32, #tpu.memory_space<vmem>>
      %dma_start3A_163 = tpu.memref_slice %arg4[%select_n3A, %add3A_160] : memref<16x262144xf32, #tpu.memory_space<hbm>> -> memref<1x512xf32, #tpu.memory_space<hbm>>
      %dma_start3A_164 = tpu.memref_slice %arg4[%select_n3A, %add3A_160] : memref<16x262144xf32, #tpu.memory_space<hbm>> -> memref<1x512xf32, #tpu.memory_space<hbm>>
      %dma_start3A_165 = arith.constant 0 : i32
      %dma_start3A_166 = tpu.memref_slice %arg6[%add3A_157, %dma_start3A_165] : memref<64x512xf32, #tpu.memory_space<vmem>> -> memref<1x512xf32, #tpu.memory_space<vmem>>
      tpu.enqueue_dma source(%dma_start3A_166 : memref<1x512xf32, #tpu.memory_space<vmem>>) target(%dma_start3A_164 : memref<1x512xf32, #tpu.memory_space<hbm>>) target_semaphore(%arg12 : memref<!tpu.dma_semaphore, #tpu.memory_space<semaphore_mem>>)
      %scan3A_167 = arith.constant 2 : i32
      %scan3A_168 = arith.addi %scan3A_138, %scan3A_167 : i32
      %mul3A_169 = arith.constant 1 : i32
      %mul3A_170 = arith.muli %scan3A_168, %mul3A_169 : i32
      %add3A_171 = arith.constant 0 : i32
      %add3A_172 = arith.addi %add3A_171, %mul3A_170 : i32
      %mul3A_173 = arith.constant 512 : i32
      %mul3A_174 = arith.muli %add3A_172, %mul3A_173 : i32
      %add3A_175 = arith.addi %mul3A_114, %mul3A_174 : i32
      %dma_start3A_176 = arith.constant 0 : i32
      %dma_start3A_177 = tpu.memref_slice %arg6[%add3A_172, %dma_start3A_176] : memref<64x512xf32, #tpu.memory_space<vmem>> -> memref<1x512xf32, #tpu.memory_space<vmem>>
      %dma_start3A_178 = tpu.memref_slice %arg4[%select_n3A, %add3A_175] : memref<16x262144xf32, #tpu.memory_space<hbm>> -> memref<1x512xf32, #tpu.memory_space<hbm>>
      %dma_start3A_179 = tpu.memref_slice %arg4[%select_n3A, %add3A_175] : memref<16x262144xf32, #tpu.memory_space<hbm>> -> memref<1x512xf32, #tpu.memory_space<hbm>>
      %dma_start3A_180 = arith.constant 0 : i32
      %dma_start3A_181 = tpu.memref_slice %arg6[%add3A_172, %dma_start3A_180] : memref<64x512xf32, #tpu.memory_space<vmem>> -> memref<1x512xf32, #tpu.memory_space<vmem>>
      tpu.enqueue_dma source(%dma_start3A_181 : memref<1x512xf32, #tpu.memory_space<vmem>>) target(%dma_start3A_179 : memref<1x512xf32, #tpu.memory_space<hbm>>) target_semaphore(%arg12 : memref<!tpu.dma_semaphore, #tpu.memory_space<semaphore_mem>>)
      %scan3A_182 = arith.constant 3 : i32
      %scan3A_183 = arith.addi %scan3A_138, %scan3A_182 : i32
      %mul3A_184 = arith.constant 1 : i32
      %mul3A_185 = arith.muli %scan3A_183, %mul3A_184 : i32
      %add3A_186 = arith.constant 0 : i32
      %add3A_187 = arith.addi %add3A_186, %mul3A_185 : i32
      %mul3A_188 = arith.constant 512 : i32
      %mul3A_189 = arith.muli %add3A_187, %mul3A_188 : i32
      %add3A_190 = arith.addi %mul3A_114, %mul3A_189 : i32
      %dma_start3A_191 = arith.constant 0 : i32
      %dma_start3A_192 = tpu.memref_slice %arg6[%add3A_187, %dma_start3A_191] : memref<64x512xf32, #tpu.memory_space<vmem>> -> memref<1x512xf32, #tpu.memory_space<vmem>>
      %dma_start3A_193 = tpu.memref_slice %arg4[%select_n3A, %add3A_190] : memref<16x262144xf32, #tpu.memory_space<hbm>> -> memref<1x512xf32, #tpu.memory_space<hbm>>
      %dma_start3A_194 = tpu.memref_slice %arg4[%select_n3A, %add3A_190] : memref<16x262144xf32, #tpu.memory_space<hbm>> -> memref<1x512xf32, #tpu.memory_space<hbm>>
      %dma_start3A_195 = arith.constant 0 : i32
      %dma_start3A_196 = tpu.memref_slice %arg6[%add3A_187, %dma_start3A_195] : memref<64x512xf32, #tpu.memory_space<vmem>> -> memref<1x512xf32, #tpu.memory_space<vmem>>
      tpu.enqueue_dma source(%dma_start3A_196 : memref<1x512xf32, #tpu.memory_space<vmem>>) target(%dma_start3A_194 : memref<1x512xf32, #tpu.memory_space<hbm>>) target_semaphore(%arg12 : memref<!tpu.dma_semaphore, #tpu.memory_space<semaphore_mem>>)
      %scan3A_197 = arith.constant 4 : i32
      %scan3A_198 = arith.addi %scan3A_138, %scan3A_197 : i32
      %mul3A_199 = arith.constant 1 : i32
      %mul3A_200 = arith.muli %scan3A_198, %mul3A_199 : i32
      %add3A_201 = arith.constant 0 : i32
      %add3A_202 = arith.addi %add3A_201, %mul3A_200 : i32
      %mul3A_203 = arith.constant 512 : i32
      %mul3A_204 = arith.muli %add3A_202, %mul3A_203 : i32
      %add3A_205 = arith.addi %mul3A_114, %mul3A_204 : i32
      %dma_start3A_206 = arith.constant 0 : i32
      %dma_start3A_207 = tpu.memref_slice %arg6[%add3A_202, %dma_start3A_206] : memref<64x512xf32, #tpu.memory_space<vmem>> -> memref<1x512xf32, #tpu.memory_space<vmem>>
      %dma_start3A_208 = tpu.memref_slice %arg4[%select_n3A, %add3A_205] : memref<16x262144xf32, #tpu.memory_space<hbm>> -> memref<1x512xf32, #tpu.memory_space<hbm>>
      %dma_start3A_209 = tpu.memref_slice %arg4[%select_n3A, %add3A_205] : memref<16x262144xf32, #tpu.memory_space<hbm>> -> memref<1x512xf32, #tpu.memory_space<hbm>>
      %dma_start3A_210 = arith.constant 0 : i32
      %dma_start3A_211 = tpu.memref_slice %arg6[%add3A_202, %dma_start3A_210] : memref<64x512xf32, #tpu.memory_space<vmem>> -> memref<1x512xf32, #tpu.memory_space<vmem>>
      tpu.enqueue_dma source(%dma_start3A_211 : memref<1x512xf32, #tpu.memory_space<vmem>>) target(%dma_start3A_209 : memref<1x512xf32, #tpu.memory_space<hbm>>) target_semaphore(%arg12 : memref<!tpu.dma_semaphore, #tpu.memory_space<semaphore_mem>>)
      %scan3A_212 = arith.constant 5 : i32
      %scan3A_213 = arith.addi %scan3A_138, %scan3A_212 : i32
      %mul3A_214 = arith.constant 1 : i32
      %mul3A_215 = arith.muli %scan3A_213, %mul3A_214 : i32
      %add3A_216 = arith.constant 0 : i32
      %add3A_217 = arith.addi %add3A_216, %mul3A_215 : i32
      %mul3A_218 = arith.constant 512 : i32
      %mul3A_219 = arith.muli %add3A_217, %mul3A_218 : i32
      %add3A_220 = arith.addi %mul3A_114, %mul3A_219 : i32
      %dma_start3A_221 = arith.constant 0 : i32
      %dma_start3A_222 = tpu.memref_slice %arg6[%add3A_217, %dma_start3A_221] : memref<64x512xf32, #tpu.memory_space<vmem>> -> memref<1x512xf32, #tpu.memory_space<vmem>>
      %dma_start3A_223 = tpu.memref_slice %arg4[%select_n3A, %add3A_220] : memref<16x262144xf32, #tpu.memory_space<hbm>> -> memref<1x512xf32, #tpu.memory_space<hbm>>
      %dma_start3A_224 = tpu.memref_slice %arg4[%select_n3A, %add3A_220] : memref<16x262144xf32, #tpu.memory_space<hbm>> -> memref<1x512xf32, #tpu.memory_space<hbm>>
      %dma_start3A_225 = arith.constant 0 : i32
      %dma_start3A_226 = tpu.memref_slice %arg6[%add3A_217, %dma_start3A_225] : memref<64x512xf32, #tpu.memory_space<vmem>> -> memref<1x512xf32, #tpu.memory_space<vmem>>
      tpu.enqueue_dma source(%dma_start3A_226 : memref<1x512xf32, #tpu.memory_space<vmem>>) target(%dma_start3A_224 : memref<1x512xf32, #tpu.memory_space<hbm>>) target_semaphore(%arg12 : memref<!tpu.dma_semaphore, #tpu.memory_space<semaphore_mem>>)
      %scan3A_227 = arith.constant 6 : i32
      %scan3A_228 = arith.addi %scan3A_138, %scan3A_227 : i32
      %mul3A_229 = arith.constant 1 : i32
      %mul3A_230 = arith.muli %scan3A_228, %mul3A_229 : i32
      %add3A_231 = arith.constant 0 : i32
      %add3A_232 = arith.addi %add3A_231, %mul3A_230 : i32
      %mul3A_233 = arith.constant 512 : i32
      %mul3A_234 = arith.muli %add3A_232, %mul3A_233 : i32
      %add3A_235 = arith.addi %mul3A_114, %mul3A_234 : i32
      %dma_start3A_236 = arith.constant 0 : i32
      %dma_start3A_237 = tpu.memref_slice %arg6[%add3A_232, %dma_start3A_236] : memref<64x512xf32, #tpu.memory_space<vmem>> -> memref<1x512xf32, #tpu.memory_space<vmem>>
      %dma_start3A_238 = tpu.memref_slice %arg4[%select_n3A, %add3A_235] : memref<16x262144xf32, #tpu.memory_space<hbm>> -> memref<1x512xf32, #tpu.memory_space<hbm>>
      %dma_start3A_239 = tpu.memref_slice %arg4[%select_n3A, %add3A_235] : memref<16x262144xf32, #tpu.memory_space<hbm>> -> memref<1x512xf32, #tpu.memory_space<hbm>>
      %dma_start3A_240 = arith.constant 0 : i32
      %dma_start3A_241 = tpu.memref_slice %arg6[%add3A_232, %dma_start3A_240] : memref<64x512xf32, #tpu.memory_space<vmem>> -> memref<1x512xf32, #tpu.memory_space<vmem>>
      tpu.enqueue_dma source(%dma_start3A_241 : memref<1x512xf32, #tpu.memory_space<vmem>>) target(%dma_start3A_239 : memref<1x512xf32, #tpu.memory_space<hbm>>) target_semaphore(%arg12 : memref<!tpu.dma_semaphore, #tpu.memory_space<semaphore_mem>>)
      %scan3A_242 = arith.constant 7 : i32
      %scan3A_243 = arith.addi %scan3A_138, %scan3A_242 : i32
      %mul3A_244 = arith.constant 1 : i32
      %mul3A_245 = arith.muli %scan3A_243, %mul3A_244 : i32
      %add3A_246 = arith.constant 0 : i32
      %add3A_247 = arith.addi %add3A_246, %mul3A_245 : i32
      %mul3A_248 = arith.constant 512 : i32
      %mul3A_249 = arith.muli %add3A_247, %mul3A_248 : i32
      %add3A_250 = arith.addi %mul3A_114, %mul3A_249 : i32
      %dma_start3A_251 = arith.constant 0 : i32
      %dma_start3A_252 = tpu.memref_slice %arg6[%add3A_247, %dma_start3A_251] : memref<64x512xf32, #tpu.memory_space<vmem>> -> memref<1x512xf32, #tpu.memory_space<vmem>>
      %dma_start3A_253 = tpu.memref_slice %arg4[%select_n3A, %add3A_250] : memref<16x262144xf32, #tpu.memory_space<hbm>> -> memref<1x512xf32, #tpu.memory_space<hbm>>
      %dma_start3A_254 = tpu.memref_slice %arg4[%select_n3A, %add3A_250] : memref<16x262144xf32, #tpu.memory_space<hbm>> -> memref<1x512xf32, #tpu.memory_space<hbm>>
      %dma_start3A_255 = arith.constant 0 : i32
      %dma_start3A_256 = tpu.memref_slice %arg6[%add3A_247, %dma_start3A_255] : memref<64x512xf32, #tpu.memory_space<vmem>> -> memref<1x512xf32, #tpu.memory_space<vmem>>
      tpu.enqueue_dma source(%dma_start3A_256 : memref<1x512xf32, #tpu.memory_space<vmem>>) target(%dma_start3A_254 : memref<1x512xf32, #tpu.memory_space<hbm>>) target_semaphore(%arg12 : memref<!tpu.dma_semaphore, #tpu.memory_space<semaphore_mem>>)
    }
    %scan3A_119 = arith.constant 64 : i32
    %dma_wait3A_120 = arith.constant 0 : i32
    %dma_wait3A_121 = arith.constant 0 : i32
    %dma_wait3A_122 = tpu.memref_slice %arg2[%dma_wait3A_120, %dma_wait3A_121] : memref<8192x512xf32, #tpu.memory_space<hbm>> -> memref<64x512xf32, #tpu.memory_space<hbm>>
    %dma_wait3A_123 = arith.constant 0 : i32
    %dma_wait3A_124 = arith.constant 0 : i32
    %dma_wait3A_125 = tpu.memref_slice %arg2[%dma_wait3A_123, %dma_wait3A_124] : memref<8192x512xf32, #tpu.memory_space<hbm>> -> memref<64x512xf32, #tpu.memory_space<hbm>>
    tpu.wait_dma2 semaphore(%arg13 : memref<!tpu.dma_semaphore, #tpu.memory_space<semaphore_mem>>) src(%dma_wait3A_125 : memref<64x512xf32, #tpu.memory_space<hbm>>) dst(%arg7 : memref<64x512xf32, #tpu.memory_space<vmem>>)
    %dma_wait3A_126 = arith.constant 0 : i32
    %dma_wait3A_127 = arith.constant 0 : i32
    %dma_wait3A_128 = tpu.memref_slice %arg2[%dma_wait3A_126, %dma_wait3A_127] : memref<8192x512xf32, #tpu.memory_space<hbm>> -> memref<64x512xf32, #tpu.memory_space<hbm>>
    %dma_wait3A_129 = arith.constant 0 : i32
    %dma_wait3A_130 = arith.constant 0 : i32
    %dma_wait3A_131 = tpu.memref_slice %arg2[%dma_wait3A_129, %dma_wait3A_130] : memref<8192x512xf32, #tpu.memory_space<hbm>> -> memref<64x512xf32, #tpu.memory_space<hbm>>
    tpu.wait_dma2 semaphore(%arg14 : memref<!tpu.dma_semaphore, #tpu.memory_space<semaphore_mem>>) src(%dma_wait3A_131 : memref<64x512xf32, #tpu.memory_space<hbm>>) dst(%arg8 : memref<64x512xf32, #tpu.memory_space<vmem>>)
    %dma_wait3A_132 = arith.constant 0 : i32
    %dma_wait3A_133 = arith.constant 0 : i32
    %dma_wait3A_134 = tpu.memref_slice %arg2[%dma_wait3A_132, %dma_wait3A_133] : memref<8192x512xf32, #tpu.memory_space<hbm>> -> memref<64x512xf32, #tpu.memory_space<hbm>>
    %dma_wait3A_135 = arith.constant 0 : i32
    %dma_wait3A_136 = arith.constant 0 : i32
    %dma_wait3A_137 = tpu.memref_slice %arg2[%dma_wait3A_135, %dma_wait3A_136] : memref<8192x512xf32, #tpu.memory_space<hbm>> -> memref<64x512xf32, #tpu.memory_space<hbm>>
    tpu.wait_dma2 semaphore(%arg12 : memref<!tpu.dma_semaphore, #tpu.memory_space<semaphore_mem>>) src(%dma_wait3A_137 : memref<64x512xf32, #tpu.memory_space<hbm>>) dst(%arg6 : memref<64x512xf32, #tpu.memory_space<vmem>>)
    return
  }
}

module attributes {stable_mosaic.version = 14 : i64} {
  func.func @_score_perm_body(%arg0: i32, %arg1: memref<512x512xf32, #tpu.memory_space<vmem>>, %arg2: memref<1x1x512xi32, #tpu.memory_space<vmem>>) attributes {dimension_semantics = [#tpu.dimension_semantics<arbitrary>], iteration_bounds = array<i64: 16>, scalar_prefetch = 0 : i64, scratch_operands = 0 : i64, tpu.core_type = #tpu.core_type<tc>, window_params = [{transform_indices = @transform_0, window_bounds = array<i64: 512, 512>}, {transform_indices = @transform_1, window_bounds = array<i64: 1, 1, 512>}]} {
    %get3A = arith.constant 0 : index
    %get3A_0 = arith.constant 0 : index
    %get3A_1 = vector.load %arg1[%get3A, %get3A_0] : memref<512x512xf32, #tpu.memory_space<vmem>>, vector<512x512xf32>
    %mul3A = arith.mulf %get3A_1, %get3A_1 : vector<512x512xf32>
    %reduce_sum3A = arith.constant dense<0.000000e+00> : vector<512xf32>
    %reduce_sum3A_2 = vector.multi_reduction <add>, %mul3A, %reduce_sum3A [1] : vector<512x512xf32> to vector<512xf32>
    %broadcast_in_dim3A = vector.shape_cast %reduce_sum3A_2 : vector<512xf32> to vector<512x1xf32>
    %sqrt3A = math.sqrt %broadcast_in_dim3A : vector<512x1xf32>
    %max3A = arith.constant 9.99999996E-13 : f32
    %max3A_3 = vector.broadcast %max3A : f32 to vector<512x1xf32>
    %max3A_4 = arith.maximumf %sqrt3A, %max3A_3 : vector<512x1xf32>
    %div3A = vector.broadcast %max3A_4 : vector<512x1xf32> to vector<512x512xf32>
    %div3A_5 = arith.divf %get3A_1, %div3A : vector<512x512xf32>
    %dot_general3A = arith.constant dense<0.000000e+00> : vector<512x512xf32>
    %dot_general3A_6 = tpu.matmul %div3A_5, %div3A_5, %dot_general3A {dimension_numbers = #tpu.dot_dimension_numbers<[1], [1], [0], [0], [0, 0, 1, 0], [], []>, transpose_lhs_hint = false} : vector<512x512xf32>, vector<512x512xf32>, vector<512x512xf32> -> vector<512x512xf32>
    %reduce_sum3A_7 = arith.constant dense<0.000000e+00> : vector<512xf32>
    %reduce_sum3A_8 = vector.multi_reduction <add>, %dot_general3A_6, %reduce_sum3A_7 [1] : vector<512x512xf32> to vector<512xf32>
    %broadcast_in_dim3A_9 = vector.shape_cast %reduce_sum3A_8 : vector<512xf32> to vector<512x1xf32>
    %div3A_10 = arith.constant 5.120000e+02 : f32
    %div3A_11 = vector.broadcast %div3A_10 : f32 to vector<512x1xf32>
    %div3A_12 = arith.divf %broadcast_in_dim3A_9, %div3A_11 : vector<512x1xf32>
    %iota3A = tpu.iota {dimensions = array<i32: 0>} : vector<512x512xi32>
    %iota3A_13 = tpu.iota {dimensions = array<i32: 1>} : vector<512x512xi32>
    %eq3A = arith.cmpi eq, %iota3A, %iota3A_13 : vector<512x512xi32>
    %convert_element_type3A = arith.extui %eq3A : vector<512x512xi1> to vector<512x512xi32>
    %convert_element_type3A_14 = arith.sitofp %convert_element_type3A : vector<512x512xi32> to vector<512x512xf32>
    %dot_general3A_15 = arith.constant dense<0.000000e+00> : vector<1x512xf32>
    %dot_general3A_16 = tpu.matmul %div3A_12, %convert_element_type3A_14, %dot_general3A_15 {dimension_numbers = #tpu.dot_dimension_numbers<[0], [0], [1], [1], [0, 1, 1, 1], [], []>, transpose_lhs_hint = false} : vector<512x1xf32>, vector<512x512xf32>, vector<1x512xf32> -> vector<1x512xf32>
    %gt3A = vector.broadcast %dot_general3A_16 : vector<1x512xf32> to vector<512x512xf32>
    %gt3A_17 = vector.broadcast %div3A_12 : vector<512x1xf32> to vector<512x512xf32>
    %gt3A_18 = arith.cmpf ogt, %gt3A, %gt3A_17 : vector<512x512xf32>
    %eq3A_19 = vector.broadcast %dot_general3A_16 : vector<1x512xf32> to vector<512x512xf32>
    %eq3A_20 = vector.broadcast %div3A_12 : vector<512x1xf32> to vector<512x512xf32>
    %eq3A_21 = arith.cmpf oeq, %eq3A_19, %eq3A_20 : vector<512x512xf32>
    %lt3A = arith.cmpi slt, %iota3A_13, %iota3A : vector<512x512xi32>
    %and3A = arith.andi %eq3A_21, %lt3A : vector<512x512xi1>
    %or3A = arith.ori %gt3A_18, %and3A : vector<512x512xi1>
    %convert_element_type3A_22 = arith.extui %or3A : vector<512x512xi1> to vector<512x512xi32>
    %reduce_sum3A_23 = arith.constant dense<0> : vector<512xi32>
    %reduce_sum3A_24 = vector.multi_reduction <add>, %convert_element_type3A_22, %reduce_sum3A_23 [1] : vector<512x512xi32> to vector<512xi32>
    %broadcast_in_dim3A_25 = vector.shape_cast %reduce_sum3A_24 : vector<512xi32> to vector<512x1xi32>
    %eq3A_26 = vector.broadcast %broadcast_in_dim3A_25 : vector<512x1xi32> to vector<512x512xi32>
    %eq3A_27 = arith.cmpi eq, %eq3A_26, %iota3A_13 : vector<512x512xi32>
    %jit3A = arith.constant 0 : i32
    %broadcast_in_dim3A_28 = vector.broadcast %jit3A : i32 to vector<512x512xi32>
    %select_n3A = arith.select %eq3A_27, %iota3A, %broadcast_in_dim3A_28 : vector<512x512xi1>, vector<512x512xi32>
    %reduce_sum3A_29 = arith.constant dense<0> : vector<512xi32>
    %reduce_sum3A_30 = vector.multi_reduction <add>, %select_n3A, %reduce_sum3A_29 [0] : vector<512x512xi32> to vector<512xi32>
    %broadcast_in_dim3A_31 = vector.shape_cast %reduce_sum3A_30 : vector<512xi32> to vector<1x512xi32>
    %mul3A_32 = arith.constant 512 : i32
    %mul3A_33 = arith.muli %arg0, %mul3A_32 : i32
    %add3A = vector.broadcast %mul3A_33 : i32 to vector<1x512xi32>
    %add3A_34 = arith.addi %broadcast_in_dim3A_31, %add3A : vector<1x512xi32>
    %reshape3A = vector.shape_cast %add3A_34 : vector<1x512xi32> to vector<1x1x512xi32>
    %swap3A = arith.constant 0 : index
    %swap3A_35 = arith.constant 0 : index
    %swap3A_36 = arith.constant 0 : index
    %swap3A_37 = vector.load %arg2[%swap3A, %swap3A_35, %swap3A_36] : memref<1x1x512xi32, #tpu.memory_space<vmem>>, vector<1x1x512xi32>
    tpu.vector_store %arg2[%swap3A, %swap3A_35, %swap3A_36], %reshape3A {strides = array<i32>} : memref<1x1x512xi32, #tpu.memory_space<vmem>>, vector<1x1x512xi32>,
    return
  }
  func.func @transform_0(%arg0: i32) -> (i32, i32) {
    %c0_i32 = arith.constant 0 : i32
    %c0_i32_0 = arith.constant 0 : i32
    return %arg0, %c0_i32 : i32, i32
  }
  func.func @transform_1(%arg0: i32) -> (i32, i32, i32) {
    %c0_i32 = arith.constant 0 : i32
    %c0_i32_0 = arith.constant 0 : i32
    %c0_i32_1 = arith.constant 0 : i32
    return %arg0, %c0_i32, %c0_i32_0 : i32, i32, i32
  }
}

module attributes {stable_mosaic.version = 14 : i64} {
  func.func @_input_writer_body(%arg0: i32, %arg1: memref<512x512xf32, #tpu.memory_space<vmem>>, %arg2: memref<16x262144xf32, #tpu.memory_space<vmem>>) attributes {dimension_semantics = [#tpu.dimension_semantics<arbitrary>], iteration_bounds = array<i64: 16>, scalar_prefetch = 0 : i64, scratch_operands = 0 : i64, tpu.core_type = #tpu.core_type<tc>, window_params = [{transform_indices = @transform_0, window_bounds = array<i64: 512, 512>}, {pipeline_mode = #tpu.pipeline_mode<synchronous>, transform_indices = @transform_1, window_bounds = array<i64: 16, 262144>}]} {
    %get3A = arith.constant 0 : index
    %get3A_0 = arith.constant 0 : index
    %get3A_1 = vector.load %arg1[%get3A, %get3A_0] : memref<512x512xf32, #tpu.memory_space<vmem>>, vector<512x512xf32>
    %reshape3A = vector.shape_cast %get3A_1 : vector<512x512xf32> to vector<1x262144xf32>
    %swap3A = arith.index_cast %arg0 : i32 to index
    %swap3A_2 = arith.constant 0 : index
    %swap3A_3 = vector.load %arg2[%swap3A, %swap3A_2] : memref<16x262144xf32, #tpu.memory_space<vmem>>, vector<1x262144xf32>
    tpu.vector_store %arg2[%swap3A, %swap3A_2], %reshape3A {strides = array<i32>} : memref<16x262144xf32, #tpu.memory_space<vmem>>, vector<1x262144xf32>,
    return
  }
  func.func @transform_0(%arg0: i32) -> (i32, i32) {
    %c0_i32 = arith.constant 0 : i32
    %c0_i32_0 = arith.constant 0 : i32
    return %arg0, %c0_i32 : i32, i32
  }
  func.func @transform_1(%arg0: i32) -> (i32, i32) {
    %c0_i32 = arith.constant 0 : i32
    %c0_i32_0 = arith.constant 0 : i32
    %c0_i32_1 = arith.constant 0 : i32
    return %c0_i32, %c0_i32_0 : i32, i32
  }
}

</mosaic_0001>

<sc_bundles>
// kernel: kernel.5.cloned.1.call-start
scs
__scs_entry_jumppad:
0x0: {  	(pc) =	sbr.rel $0x88, $3  }
0x1: {  	(tag) =	ssettag $0x0;
	lr =	simm.s32 $0x1  }
0x2: {  	[smem:$0x3FA0] =	sst lr;
	_ =	strace $0xD0000000  }
0x3: {  	_ = 	snop  }
0x4: {  	_ = 	snop  }
0x5: {  	_ = 	snop  }
0x6: {  	_ = 	snop  }
0x7: {  	_ = 	snop  }
__scs_overlays_trampoline_lowered:
0x8: {  	[smem:$0x3FAF] =	sst s0  }
0x9: {  	[smem:$0x3FB0] =	sst s1  }
0xa: {  	[smem:$0x3FB1] =	sst s2  }
0xb: {  	[smem:$0x3FB2] =	sst s3  }
0xc: {  	[smem:$0x3FB3] =	sst s4  }
0xd: {  	[smem:$0x3FB4] =	sst s5  }
0xe: {  	[smem:$0x3FB5] =	sst s6  }
0xf: {  	[smem:$0x3FB6] =	sst s7  }
0x10: {  	[smem:$0x3FB7] =	sst s8  }
0x11: {  	[smem:$0x3FB8] =	sst s9;
	s0 =	simm.s32 @!p0 $0x0  }
0x12: {  	s1 =	sld [smem:$0x3F9E];
	s0 =	simm.s32 @p0 $0x1  }
0x13: {  	[smem:$0x3FB9] =	sst s0;
	s0 =	simm.s32 @!p1 $0x0  }
0x14: {  	s2 =	sld [smem:$0x3F9D];
	s0 =	simm.s32 @p1 $0x1  }
0x15: {  	[smem:$0x3FBA] =	sst s0;
	s0 =	simm.s32 @!p2 $0x0  }
0x16: {  	s3 =	sld [smem:$0x3FDB];
	s0 =	simm.s32 @p2 $0x1  }
0x17: {  	s4 =	simm.s32 $0x1BF5;
	[smem:$0x3FBC] =	sst s0  }
0x18: {  	s0 =	sld [smem:$0x3F9F];
	_ =	swait.ge [sflag:s4], $0x0  }
0x19: {  	s7 =	sld [smem:$0x3FA0]  }
0x1a: {  	s8 =	sadd.s32 $0xFFFFE003, lr  }
0x1b: {  	s9 =	sadd.s32 $0xFFFFFEF7, lr;
	s5 =	simm.s32 $0xFFFFFFFF;
	p2 =	slt.u32 s8, $0xFFFFF086  }
0x1c: {  	p1 =	slt.u32 s9, $0xF7A;
	s5 =	simm.s32 @!p2 $0x0  }
0x1d: {  	s5 =	simm.s32 @p1 $0x1;
	p0 =	seq.s32 s7, s2  }
0x1e: {  	s7 =	smul.u32 @!p0 $0xF7A, s2;
	p2 =	seq.s32 @!p0 s5, $0x0  }
0x1f: {  	s9 =	smul.u32 $0xF7A, s1;
	s8 =	simm.s32 @!p0 $0x1BF5;
	p2 =	por !p2, p0  }
0x20: {  	[sflag:s8] =	ssyncset.s32 @!p0 $0xFFFFF086;
	s6 =	sadd.s32 @!p0 s3, s7;
	s7 =	simm.s32 @!p0 $0x108  }
0x21: {  	s3 =	sadd.s32 s3, s9;
	s6 =	sadd.s32 @!p0 $0x88, s6;
	s7 =	simm.s32 @p2 $0x1082  }
0x22: {  	[simem:s7], [sflag:s8] =	dma.local @!p0 [hbm:s6], $0xF7A  }
0x23: {  	s9 =	sor.u32 $0xD0000000, s2;
	s6 =	simm.s32 $0x108;
	_ =	swait.ge @!p0 [sflag:s8], $0x0  }
0x24: {  	s3 =	sadd.s32 $0x88, s3;
	s6 =	simm.s32 @!p1 $0x1082;
	[sflag:s4] =	ssyncset.s32 $0xFFFFF086  }
0x25: {  	[simem:s6], [sflag:s4] =	dma.local [hbm:s3], $0xF7A  }
0x26: {  	[smem:$0x3FA0] =	sst s1;
	(tag) =	ssettag s2;
	_ =	strace s9  }
0x27: {  	s1 =	sld [smem:$0x3FB0]  }
0x28: {  	s2 =	sld [smem:$0x3FB1]  }
0x29: {  	s4 =	sld [smem:$0x3FB3]  }
0x2a: {  	p0 =	seq.s32 s5, $0x0;
	s5 =	sld [smem:$0x3FB4]  }
0x2b: {  	s6 =	sld [smem:$0x3FB5]  }
0x2c: {  	s7 =	sld [smem:$0x3FB6]  }
0x2d: {  	s3 =	simm.s32 $0x108;
	s8 =	sld [smem:$0x3FB7]  }
0x2e: {  	s3 =	simm.s32 @!p0 $0x1082;
	s9 =	sld [smem:$0x3FB8]  }
0x2f: {  	lr =	sadd.s32 s0, s3;
	s0 =	sld [smem:$0x3FAF]  }
0x30: {  	s3 =	sld [smem:$0x3FB2]  }
0x31: {  	[smem:$0x3FBB] =	sst s10  }
0x32: {  	s10 =	sld [smem:$0x3FB9];
	_ =	sdelay $0x3  }
0x33: {  	p0 =	seq.s32 s10, $0x1;
	s10 =	sld [smem:$0x3FBB];
	_ =	sdelay $0x3  }
0x34: {  	[smem:$0x3FBB] =	sst s10  }
0x35: {  	s10 =	sld [smem:$0x3FBA];
	_ =	sdelay $0x3  }
0x36: {  	p1 =	seq.s32 s10, $0x1;
	s10 =	sld [smem:$0x3FBB];
	_ =	sdelay $0x3  }
0x37: {  	[smem:$0x3FBB] =	sst s10  }
0x38: {  	s10 =	sld [smem:$0x3FBC]  }
0x39: {  	_ = 	snop;
	(pc) =	sbr.ind lr, $3  }
0x3a: {  	_ = 	snop  }
0x3b: {  	_ = 	snop  }
0x3c: {  	p2 =	seq.s32 s10, $0x1;
	s10 =	sld [smem:$0x3FBB]  }
0x3d: {  	_ =	shalt  }
0x3e: {  	_ =	shalt  }
0x3f: {  	_ =	shalt  }
0x40: {  	_ =	shalt  }
0x41: {  	_ =	shalt  }
0x42: {  	_ =	shalt  }
0x43: {  	_ =	shalt  }
0x44: {  	_ =	shalt  }
0x45: {  	_ =	shalt  }
0x46: {  	_ =	shalt  }
0x47: {  	_ =	shalt  }
0x48: {  	_ =	shalt  }
0x49: {  	_ =	shalt  }
0x4a: {  	_ =	shalt  }
0x4b: {  	_ =	shalt  }
0x4c: {  	_ =	shalt  }
0x4d: {  	_ =	shalt  }
0x4e: {  	_ =	shalt  }
0x4f: {  	_ =	shalt  }
0x50: {  	_ =	shalt  }
0x51: {  	_ =	shalt  }
0x52: {  	_ =	shalt  }
0x53: {  	_ =	shalt  }
0x54: {  	_ =	shalt  }
0x55: {  	_ =	shalt  }
0x56: {  	_ =	shalt  }
0x57: {  	_ =	shalt  }
0x58: {  	_ =	shalt  }
0x59: {  	_ =	shalt  }
0x5a: {  	_ =	shalt  }
0x5b: {  	_ =	shalt  }
0x5c: {  	_ =	shalt  }
0x5d: {  	_ =	shalt  }
0x5e: {  	_ =	shalt  }
0x5f: {  	_ =	shalt  }
0x60: {  	_ =	shalt  }
0x61: {  	_ =	shalt  }
0x62: {  	_ =	shalt  }
0x63: {  	_ =	shalt  }
0x64: {  	_ =	shalt  }
0x65: {  	_ =	shalt  }
0x66: {  	_ =	shalt  }
0x67: {  	_ =	shalt  }
0x68: {  	_ =	shalt  }
0x69: {  	_ =	shalt  }
0x6a: {  	_ =	shalt  }
0x6b: {  	_ =	shalt  }
0x6c: {  	_ =	shalt  }
0x6d: {  	_ =	shalt  }
0x6e: {  	_ =	shalt  }
0x6f: {  	_ =	shalt  }
0x70: {  	_ =	shalt  }
0x71: {  	_ =	shalt  }
0x72: {  	_ =	shalt  }
0x73: {  	_ =	shalt  }
0x74: {  	_ =	shalt  }
0x75: {  	_ =	shalt  }
0x76: {  	_ =	shalt  }
0x77: {  	_ =	shalt  }
0x78: {  	_ =	shalt  }
0x79: {  	_ =	shalt  }
0x7a: {  	_ =	shalt  }
0x7b: {  	_ =	shalt  }
0x7c: {  	_ =	shalt  }
0x7d: {  	_ =	shalt  }
0x7e: {  	_ =	shalt  }
0x7f: {  	_ =	shalt  }
0x80: {  	_ =	shalt  }
0x81: {  	_ =	shalt  }
0x82: {  	_ =	shalt  }
0x83: {  	_ =	shalt  }
0x84: {  	_ =	shalt  }
0x85: {  	_ =	shalt  }
0x86: {  	_ =	shalt  }
0x87: {  	_ =	shalt  }
.Lfunc_end0:
.L_simem_size_0:
called_computation_lowered:
.L_overlay_start_0:
0x88: {  	s2 =	sld [smem:$0x3FD9]  }
0x89: {  	s3 =	sld [smem:$0x3FFE];
	_ =	sdelay $0x1  }
0x8a: {  	s1 =	srdreg.scid  }
0x8b: {  	s0 =	sand.u32 $0x1, s1  }
0x8c: {  	s14 =	sshll.u32 s0, $0xA;
	s2 =	sadd.s32 s3, s2  }
0x8d: {  	s2 =	sadd.s32 s2, s14  }
0x8e: {  	[smem:$0x3FC7] =	sst s2  }
0x8f: {  	_ = 	snop  }
0x90: {  	s2 =	sld [smem:$0x3FD0];
	_ =	sdelay $0x2  }
0x91: {  	s4 =	simm.s32 $0xA;
	s5 =	simm.s32 $0x10;
	s15 =	sld [smem:$0x3FC9]  }
0x92: {  	[smem:s5], [sflag:s4] =	dma.local [hbm:s2], $0x1  }
0x93: {  	_ =	swait.eq [sflag:s4], $0x1  }
0x94: {  	[sflag:s4] =	ssyncset.done $0x0  }
0x95: {  	[sflag:s4] =	ssyncadd.s32 $0xFFFFFFFF  }
0x96: {  	s16 =	sld [smem:$0x10];
	(tm) =	ssettm $0x1  }
0x97: {  	s17 =	sld [smem:$0x3FFB];
	_ =	sdelay $0x3  }
0x98: {  	_ =	strace s17  }
0x99: {  	s4 =	sld [smem:$0x3FFC];
	_ =	sdelay $0x3  }
0x9a: {  	_ =	strace s4  }
0x9b: {  	s4 =	sld [smem:$0x3FFD];
	_ =	sdelay $0x3  }
0x9c: {  	_ =	strace s4  }
0x9d: {  	_ =	strace $0x8FFFFFFF  }
0x9e: {  	s18 =	sld [smem:$0x3FDB];
	_ =	sdelay $0x1  }
0x9f: {  	s19 =	simm.s32 $_scs_section_size  }
0xa0: {  	s6 =	simm.s32 $_size__tile_overlayer_lowered;
	s7 =	simm.s32 $_tile_overlayer_lowered  }
0xa1: {  	s22 =	simm.s32 $0x1BFF;
	s21 =	sshll.u32 s7, $0x1;
	s4 =	sadd.s32 s19, s18  }
0xa2: {  	s8 =	simm.s32 $0x0;
	s20 =	sshll.u32 s6, $0x1;
	s6 =	sadd.s32 s21, s4  }
0xa3: {  	[timem:s8], [sflag:s22] =	dma.local [hbm:s6], s20  }
0xa4: {  	_ =	swait.ge [sflag:s22], s20  }
0xa5: {  	s5 =	ssub.s32 $0x0, s20;
	[sflag:s22] =	ssyncset.done $0x0  }
0xa6: {  	[sflag:s22] =	ssyncadd.s32 s5;
	_ =	sdelay $0x1  }
0xa7: {  	s23 =	simm.s32 $0x1B8B  }
0xa8: {  	_ =	swait.ge [sflag:s23], $0x1  }
0xa9: {  	[sflag:s23] =	ssyncset.done $0x0  }
0xaa: {  	s25 =	simm.s32 $0x1B8E;
	s24 =	sld [smem:$0x3FFE];
	[sflag:s23] =	ssyncadd.s32 $0xFFFFFFFF  }
0xab: {  	s26 =	simm.s32 $execute0_lowered;
	[smem:$0x3FD2] =	sst s25  }
0xac: {  	s6 =	sshll.u32 s26, $0x1;
	_ =	strace $0x80000046;
	[dreg:$0x1] =	wrdreg $0xFFFFFFFF  }
0xad: {  	s28 =	simm.s32 $_size_execute0_lowered;
	s4 =	sadd.s32 s4, s6;
	[dreg:$0x0] =	wrdreg $0x0  }
0xae: {  	s6 =	sshll.u32 s28, $0x1;
	[dreg:$0x2] =	wrdreg s4  }
0xaf: {  	[dreg:$0x3] =	wrdreg s6  }
0xb0: {  	[dreg:$0x4] =	wrdreg $0xC0  }
0xb1: {  	_ =	task [dreg:s8], $0x5FFFF  }
0xb2: {  	[dreg:$0x1] =	wrdreg $0xFFFFFFFF  }
0xb3: {  	[dreg:$0x0] =	wrdreg $0x60  }
0xb4: {  	[dreg:$0x2] =	wrdreg s15  }
0xb5: {  	[dreg:$0x3] =	wrdreg s24  }
0xb6: {  	[dreg:$0x4] =	wrdreg s16  }
0xb7: {  	[dreg:$0x5] =	wrdreg $0x9  }
0xb8: {  	_ =	task.clear_ibuf [dreg:s8], $0x6FFFF;
	_ =	strace $0x90000046  }
0xb9: {  	s29 =	simm.s32 $0x9;
	_ =	strace $0x80000048  }
0xba: {  	_ =	swait.ge [sflag:s29], $0x1  }
0xbb: {  	[sflag:s29] =	ssyncadd.s32 $0xFFFFFFFF  }
0xbc: {  	_ =	strace $0x90000048  }
0xbd: {  	_ =	sfence  }
0xbe: {  	s30 =	sld [smem:$0x0];
	_ =	sdelay $0x2  }
0xbf: {  	s31 =	sshll.u32 s1, $0xD;
	s1 =	sshrl.u32 s1, $0x2  }
0xc0: {  	s3 =	sand.u32 $0x4000, s31;
	s1 =	sadd.s32 s1, s30  }
0xc1: {  	s0 =	sor.u32 s3, s0;
	s1 =	sshll.u32 s1, $0x11  }
0xc2: {  	s0 =	sor.u32 s1, s0  }
0xc3: {  	s0 =	sadd.s32 $0x8F2B, s0  }
0xc4: {  	[sflag:s0] =	ssyncadd.remote.s32 $0x1  }
0xc5: {  	_ =	sfence.sel $0xFFFF  }
0xc6: {  	[dreg:$0x0] =	wrdreg $0xFFFFFFFF;
	(pc) =	sbr.abs _section_cstart, $3  }
0xc7: {  	[dreg:$0x1] =	wrdreg $0xFFFFFFFF  }
0xc8: {  	_ =	task.clear_ibuf [dreg:s8], $0x2FFFF;
	_ =	strace $0x9FFFFFFF  }
0xc9: {  	(tm) =	ssettm $0x7FFFFFFF  }
tec
execute0_lowered:
.L_overlay_start_1:
0x0: {  	(tag) =	ssettag $0x1  }
0x1: {  	s1 =	rddreg [dreg:$0x0]  }
0x2: {  	s0 =	rddreg [dreg:$0x1];
	s2 =	srdreg.scid  }
0x3: {  	s8 =	stileid.u32;
	s3 =	rddreg [dreg:$0x2];
	s6 =	simm.s32 $0x1  }
0x4: {  	s13 =	simm.s32 $0x7;
	s28 =	simm.s32 $0x6900;
	s29 =	simm.s32 $0x7100  }
0x5: {  	s30 =	simm.s32 $0x7900;
	s31 =	simm.s32 $0x2;
	s14 =	simm.s32 $0x5  }
0x6: {  	s15 =	simm.s32 $0x6;
	s2 =	sand.u32 $0x1, s2;
	s4 =	sshll.u32 s8, $0x1  }
0x7: {  	s5 =	sor.u32 s2, s4;
	s4 =	simm.s32 $0x0;
	p1 =	seq.s32 s2, $0x1  }
0x8: {  	s7 =	ssub.s32 $0x2, s2;
	p0 =	seq.s32 s5, $0x0;
	[smem:$0x7FF] =	sst s4  }
0x9: {  	s5 =	sshll.u32 s5, $0x5;
	s20 =	sshrl.u32 s7, $0x1;
	p0 =	por !p0, !p1  }
0xa: {  	_ =	strace $0x80000047;
	s0 =	sadd.s32 s5, s0;
	s7 =	ssub.s32 s7, s20  }
0xb: {  	s5 =	simm.s32 $0x1;
	p0 =	por !p0, !p0;
	s0 =	sadd.s32 $0x1800, s0  }
0xc: {  	s23 =	smax.u32 s7, $0x1;
	s6 =	simm.s32 @!p0 $0x0;
	[dreg:$0x5] =	wrdreg s0  }
0xd: {  	[dreg:$0x6] =	wrdreg s23;
	s23 =	simm.s32 $0x4900;
	s8 =	ssub.s32 s8, s6  }
0xe: {  	s6 =	sshll.u32 s2, $0x14;
	s9 =	sshll.u32 s8, $0x12;
	s8 =	sshll.u32 s8, $0x7  }
0xf: {  	s21 =	sand.u32 $0xFFE00000, s9;
	s22 =	sand.u32 $0x380, s8;
	s8 =	sadd.s32 $0x100, s1  }
0x10: {  	s9 =	sor.u32 s6, s21;
	s2 =	sor.u32 s21, s22;
	s21 =	simm.s32 $0x100  }
0x11: {  	s0 =	sor.u32 s22, s9;
	[dreg:$0x4] =	wrdreg s2;
	s22 =	simm.s32 $0x900  }
0x12: {  	s24 =	sor.u32 $0x40000, s0;
	s25 =	sor.u32 $0x80000, s0;
	s0 =	sor.u32 $0xC0000, s0  }
0x13: {  	s2 =	sshrl.u32 s24, $0x3;
	s7 =	sshrl.u32 s25, $0x3;
	s0 =	sshrl.u32 s0, $0x3  }
0x14: {  	s24 =	simm.s32 $0x5100;
	s25 =	simm.s32 $0x5900;
	s2 =	sadd.s32 s2, s3  }
0x15: {  	v2 =	vlaneseq.u32;
	s26 =	sadd.s32 s7, s3;
	s0 =	sadd.s32 s0, s3;
	s7 =	simm.s32 $0x0  }
0x16: {  	vm0 =	vmmov $0xffff;
	v1 =	vshrl.u32 v2, $0x3;
	s10 =	sadd.s32 $0xE00, s2;
	s11 =	sadd.s32 $0xE00, s26;
	s12 =	sadd.s32 $0xE00, s0  }
0x17: {  	v0 =	vand.u32 $0x7, v2;
	v2 =	vor.u32 $0x8, v2;
	v1 =	vmul.u32 $0x8, v1;
	s26 =	simm.s32 $0x6100;
	s0 =	simm.s32 $0x4;
	s2 =	simm.s32 $0x3  }
.LBB2_1:
0x18: {  	s9 =	rddreg [dreg:$0x5]  }
0x19: {  	[tilespmem:s4], [sflag:$0x7] =	stream.linear.gather [hbm4b:s9+s4], $0x100, $0x38;
	[tilespmem:$0x18100] =	vst v63  }
0x1a: {  	_ =	swait.ge [sflag:s13], $0x100  }
0x1b: {  	[sflag:s13] =	ssyncset.done $0x0  }
0x1c: {  	[sflag:s13] =	ssyncadd.s32 $0xFFFFFF00  }
0x1d: {  	v3 =	vld [tilespmem:$0x0];
	_ =	sdelay $0x4  }
0x1e: {  	v4 =	vshll.u32 v3, $0x2  }
0x1f: {  	v3 =	vand.u32 $0x7, v3;
	v4 =	vand.u32 $0xFFFFFFE0, v4  }
0x20: {  	v3 =	vor.u32 v3, v4  }
0x21: {  	v4 =	vperm.xlane v3, v0;
	_ =	sdelay $0x1  }
0x22: {  	v4 =	vadd.s32 v1, v4;
	_ =	sdelay $0x1  }
0x23: {  	v3 =	vperm.xlane v3, v2;
	_ =	sdelay $0x1  }
0x24: {  	v3 =	vadd.s32 v1, v3  }
0x25: {  	[tilespmem:s21], [sflag:$0x1] =	stream.indirect_vreg.gather [hbm4b:s1+s4], $0x80, v4, vm0, $0xb8;
	[tilespmem:$0x18100] =	vst v63  }
0x26: {  	_ = 	snop  }
0x27: {  	[tilespmem:s22], [sflag:$0x1] =	stream.indirect_vreg.gather [hbm4b:s8+s4], $0x80, v4, vm0, $0xb8;
	[tilespmem:$0x18100] =	vst v63  }
0x28: {  	s21 =	simm.s32 $0x1100  }
0x29: {  	[tilespmem:s21], [sflag:$0x1] =	stream.indirect_vreg.gather [hbm4b:s1+s4], $0x80, v3, vm0, $0xb8;
	[tilespmem:$0x18100] =	vst v63  }
0x2a: {  	s22 =	simm.s32 $0x1900  }
0x2b: {  	[tilespmem:s22], [sflag:$0x1] =	stream.indirect_vreg.gather [hbm4b:s8+s4], $0x80, v3, vm0, $0xb8;
	[tilespmem:$0x18100] =	vst v63  }
0x2c: {  	v3 =	vld [tilespmem:$0x10];
	_ =	sdelay $0x4  }
0x2d: {  	v53 =	vshll.u32 v3, $0x2  }
0x2e: {  	v3 =	vand.u32 $0x7, v3;
	v4 =	vand.u32 $0xFFFFFFE0, v53  }
0x2f: {  	v3 =	vor.u32 v3, v4  }
0x30: {  	v4 =	vperm.xlane v3, v0;
	_ =	sdelay $0x1  }
0x31: {  	v4 =	vadd.s32 v1, v4;
	_ =	sdelay $0x1  }
0x32: {  	v3 =	vperm.xlane v3, v2;
	_ =	sdelay $0x1  }
0x33: {  	s16 =	simm.s32 $0x2100;
	v3 =	vadd.s32 v1, v3  }
0x34: {  	[tilespmem:s16], [sflag:$0x1] =	stream.indirect_vreg.gather [hbm4b:s1+s4], $0x80, v4, vm0, $0xb8;
	[tilespmem:$0x18100] =	vst v63  }
0x35: {  	s17 =	simm.s32 $0x2900  }
0x36: {  	[tilespmem:s17], [sflag:$0x1] =	stream.indirect_vreg.gather [hbm4b:s8+s4], $0x80, v4, vm0, $0xb8;
	[tilespmem:$0x18100] =	vst v63  }
0x37: {  	s18 =	simm.s32 $0x3100  }
0x38: {  	[tilespmem:s18], [sflag:$0x1] =	stream.indirect_vreg.gather [hbm4b:s1+s4], $0x80, v3, vm0, $0xb8;
	[tilespmem:$0x18100] =	vst v63  }
0x39: {  	s19 =	simm.s32 $0x3900  }
0x3a: {  	[tilespmem:s19], [sflag:$0x1] =	stream.indirect_vreg.gather [hbm4b:s8+s4], $0x80, v3, vm0, $0xb8;
	[tilespmem:$0x18100] =	vst v63  }
0x3b: {  	v3 =	vld [tilespmem:$0x20];
	_ =	sdelay $0x4  }
0x3c: {  	v54 =	vshll.u32 v3, $0x2  }
0x3d: {  	v3 =	vand.u32 $0x7, v3;
	v4 =	vand.u32 $0xFFFFFFE0, v54  }
0x3e: {  	v3 =	vor.u32 v3, v4  }
0x3f: {  	v4 =	vperm.xlane v3, v0;
	_ =	sdelay $0x1  }
0x40: {  	v4 =	vadd.s32 v1, v4;
	_ =	sdelay $0x1  }
0x41: {  	v3 =	vperm.xlane v3, v2;
	_ =	sdelay $0x1  }
0x42: {  	s20 =	simm.s32 $0x4100;
	v3 =	vadd.s32 v1, v3  }
0x43: {  	[tilespmem:s20], [sflag:$0x1] =	stream.indirect_vreg.gather [hbm4b:s1+s4], $0x80, v4, vm0, $0xb8;
	[tilespmem:$0x18100] =	vst v63  }
0x44: {  	_ = 	snop  }
0x45: {  	[tilespmem:s23], [sflag:$0x1] =	stream.indirect_vreg.gather [hbm4b:s8+s4], $0x80, v4, vm0, $0xb8;
	[tilespmem:$0x18100] =	vst v63  }
0x46: {  	_ = 	snop  }
0x47: {  	[tilespmem:s24], [sflag:$0x1] =	stream.indirect_vreg.gather [hbm4b:s1+s4], $0x80, v3, vm0, $0xb8;
	[tilespmem:$0x18100] =	vst v63  }
0x48: {  	_ = 	snop  }
0x49: {  	[tilespmem:s25], [sflag:$0x1] =	stream.indirect_vreg.gather [hbm4b:s8+s4], $0x80, v3, vm0, $0xb8;
	[tilespmem:$0x18100] =	vst v63  }
0x4a: {  	v3 =	vld [tilespmem:$0x30];
	_ =	sdelay $0x4  }
0x4b: {  	v55 =	vshll.u32 v3, $0x2  }
0x4c: {  	v3 =	vand.u32 $0x7, v3;
	v4 =	vand.u32 $0xFFFFFFE0, v55  }
0x4d: {  	v3 =	vor.u32 v3, v4  }
0x4e: {  	v4 =	vperm.xlane v3, v0;
	_ =	sdelay $0x1  }
0x4f: {  	v4 =	vadd.s32 v1, v4;
	_ =	sdelay $0x1  }
0x50: {  	v3 =	vperm.xlane v3, v2;
	_ =	sdelay $0x1  }
0x51: {  	v3 =	vadd.s32 v1, v3  }
0x52: {  	[tilespmem:s26], [sflag:$0x1] =	stream.indirect_vreg.gather [hbm4b:s1+s4], $0x80, v4, vm0, $0xb8;
	[tilespmem:$0x18100] =	vst v63  }
0x53: {  	_ = 	snop  }
0x54: {  	[tilespmem:s28], [sflag:$0x1] =	stream.indirect_vreg.gather [hbm4b:s8+s4], $0x80, v4, vm0, $0xb8;
	[tilespmem:$0x18100] =	vst v63  }
0x55: {  	_ = 	snop  }
0x56: {  	[tilespmem:s29], [sflag:$0x1] =	stream.indirect_vreg.gather [hbm4b:s1+s4], $0x80, v3, vm0, $0xb8;
	[tilespmem:$0x18100] =	vst v63  }
0x57: {  	_ = 	snop  }
0x58: {  	[tilespmem:s30], [sflag:$0x1] =	stream.indirect_vreg.gather [hbm4b:s8+s4], $0x80, v3, vm0, $0xb8;
	[tilespmem:$0x18100] =	vst v63  }
0x59: {  	v3 =	vld [tilespmem:$0x40];
	_ =	sdelay $0x4  }
0x5a: {  	v56 =	vshll.u32 v3, $0x2  }
0x5b: {  	v3 =	vand.u32 $0x7, v3;
	v4 =	vand.u32 $0xFFFFFFE0, v56  }
0x5c: {  	v3 =	vor.u32 v3, v4  }
0x5d: {  	v4 =	vperm.xlane v3, v0;
	_ =	sdelay $0x1  }
0x5e: {  	v4 =	vadd.s32 v1, v4;
	_ =	sdelay $0x1  }
0x5f: {  	v3 =	vperm.xlane v3, v2;
	_ =	sdelay $0x1  }
0x60: {  	s21 =	simm.s32 $0x8100;
	v3 =	vadd.s32 v1, v3  }
0x61: {  	[tilespmem:s21], [sflag:$0x2] =	stream.indirect_vreg.gather [hbm4b:s1+s4], $0x80, v4, vm0, $0xb8;
	[tilespmem:$0x18100] =	vst v63  }
0x62: {  	s22 =	simm.s32 $0x8900  }
0x63: {  	[tilespmem:s22], [sflag:$0x2] =	stream.indirect_vreg.gather [hbm4b:s8+s4], $0x80, v4, vm0, $0xb8;
	[tilespmem:$0x18100] =	vst v63  }
0x64: {  	s16 =	simm.s32 $0x9100  }
0x65: {  	[tilespmem:s16], [sflag:$0x2] =	stream.indirect_vreg.gather [hbm4b:s1+s4], $0x80, v3, vm0, $0xb8;
	[tilespmem:$0x18100] =	vst v63  }
0x66: {  	s17 =	simm.s32 $0x9900  }
0x67: {  	[tilespmem:s17], [sflag:$0x2] =	stream.indirect_vreg.gather [hbm4b:s8+s4], $0x80, v3, vm0, $0xb8;
	[tilespmem:$0x18100] =	vst v63  }
0x68: {  	v3 =	vld [tilespmem:$0x50];
	_ =	sdelay $0x4  }
0x69: {  	v57 =	vshll.u32 v3, $0x2  }
0x6a: {  	v3 =	vand.u32 $0x7, v3;
	v4 =	vand.u32 $0xFFFFFFE0, v57  }
0x6b: {  	v3 =	vor.u32 v3, v4  }
0x6c: {  	v4 =	vperm.xlane v3, v0;
	_ =	sdelay $0x1  }
0x6d: {  	v4 =	vadd.s32 v1, v4;
	_ =	sdelay $0x1  }
0x6e: {  	v3 =	vperm.xlane v3, v2;
	_ =	sdelay $0x1  }
0x6f: {  	s18 =	simm.s32 $0xA100;
	v3 =	vadd.s32 v1, v3  }
0x70: {  	[tilespmem:s18], [sflag:$0x2] =	stream.indirect_vreg.gather [hbm4b:s1+s4], $0x80, v4, vm0, $0xb8;
	[tilespmem:$0x18100] =	vst v63  }
0x71: {  	s19 =	simm.s32 $0xA900  }
0x72: {  	[tilespmem:s19], [sflag:$0x2] =	stream.indirect_vreg.gather [hbm4b:s8+s4], $0x80, v4, vm0, $0xb8;
	[tilespmem:$0x18100] =	vst v63  }
0x73: {  	s20 =	simm.s32 $0xB100  }
0x74: {  	[tilespmem:s20], [sflag:$0x2] =	stream.indirect_vreg.gather [hbm4b:s1+s4], $0x80, v3, vm0, $0xb8;
	[tilespmem:$0x18100] =	vst v63  }
0x75: {  	s21 =	simm.s32 $0xB900  }
0x76: {  	[tilespmem:s21], [sflag:$0x2] =	stream.indirect_vreg.gather [hbm4b:s8+s4], $0x80, v3, vm0, $0xb8;
	[tilespmem:$0x18100] =	vst v63  }
0x77: {  	v3 =	vld [tilespmem:$0x60];
	_ =	sdelay $0x4  }
0x78: {  	v58 =	vshll.u32 v3, $0x2  }
0x79: {  	v3 =	vand.u32 $0x7, v3;
	v4 =	vand.u32 $0xFFFFFFE0, v58  }
0x7a: {  	v3 =	vor.u32 v3, v4  }
0x7b: {  	v4 =	vperm.xlane v3, v0;
	_ =	sdelay $0x1  }
0x7c: {  	v4 =	vadd.s32 v1, v4;
	_ =	sdelay $0x1  }
0x7d: {  	v3 =	vperm.xlane v3, v2;
	_ =	sdelay $0x1  }
0x7e: {  	s22 =	simm.s32 $0xC100;
	v3 =	vadd.s32 v1, v3  }
0x7f: {  	[tilespmem:s22], [sflag:$0x2] =	stream.indirect_vreg.gather [hbm4b:s1+s4], $0x80, v4, vm0, $0xb8;
	[tilespmem:$0x18100] =	vst v63  }
0x80: {  	s16 =	simm.s32 $0xC900  }
0x81: {  	[tilespmem:s16], [sflag:$0x2] =	stream.indirect_vreg.gather [hbm4b:s8+s4], $0x80, v4, vm0, $0xb8;
	[tilespmem:$0x18100] =	vst v63  }
0x82: {  	s17 =	simm.s32 $0xD100  }
0x83: {  	[tilespmem:s17], [sflag:$0x2] =	stream.indirect_vreg.gather [hbm4b:s1+s4], $0x80, v3, vm0, $0xb8;
	[tilespmem:$0x18100] =	vst v63  }
0x84: {  	s18 =	simm.s32 $0xD900  }
0x85: {  	[tilespmem:s18], [sflag:$0x2] =	stream.indirect_vreg.gather [hbm4b:s8+s4], $0x80, v3, vm0, $0xb8;
	[tilespmem:$0x18100] =	vst v63  }
0x86: {  	v3 =	vld [tilespmem:$0x70];
	_ =	sdelay $0x4  }
0x87: {  	v59 =	vshll.u32 v3, $0x2  }
0x88: {  	v3 =	vand.u32 $0x7, v3;
	v4 =	vand.u32 $0xFFFFFFE0, v59  }
0x89: {  	v3 =	vor.u32 v3, v4  }
0x8a: {  	v4 =	vperm.xlane v3, v0;
	_ =	sdelay $0x1  }
0x8b: {  	v4 =	vadd.s32 v1, v4;
	_ =	sdelay $0x1  }
0x8c: {  	v3 =	vperm.xlane v3, v2;
	_ =	sdelay $0x1  }
0x8d: {  	s19 =	simm.s32 $0xE100;
	v3 =	vadd.s32 v1, v3  }
0x8e: {  	[tilespmem:s19], [sflag:$0x2] =	stream.indirect_vreg.gather [hbm4b:s1+s4], $0x80, v4, vm0, $0xb8;
	[tilespmem:$0x18100] =	vst v63  }
0x8f: {  	s20 =	simm.s32 $0xE900  }
0x90: {  	[tilespmem:s20], [sflag:$0x2] =	stream.indirect_vreg.gather [hbm4b:s8+s4], $0x80, v4, vm0, $0xb8;
	[tilespmem:$0x18100] =	vst v63  }
0x91: {  	s21 =	simm.s32 $0xF100  }
0x92: {  	[tilespmem:s21], [sflag:$0x2] =	stream.indirect_vreg.gather [hbm4b:s1+s4], $0x80, v3, vm0, $0xb8;
	[tilespmem:$0x18100] =	vst v63  }
0x93: {  	s22 =	simm.s32 $0xF900  }
0x94: {  	[tilespmem:s22], [sflag:$0x2] =	stream.indirect_vreg.gather [hbm4b:s8+s4], $0x80, v3, vm0, $0xb8;
	[tilespmem:$0x18100] =	vst v63  }
0x95: {  	v3 =	vld [tilespmem:$0x80];
	_ =	sdelay $0x4  }
0x96: {  	v60 =	vshll.u32 v3, $0x2  }
0x97: {  	v3 =	vand.u32 $0x7, v3;
	v4 =	vand.u32 $0xFFFFFFE0, v60  }
0x98: {  	v3 =	vor.u32 v3, v4  }
0x99: {  	v4 =	vperm.xlane v3, v0;
	_ =	sdelay $0x1  }
0x9a: {  	v4 =	vadd.s32 v1, v4;
	_ =	sdelay $0x1  }
0x9b: {  	v3 =	vperm.xlane v3, v2;
	_ =	sdelay $0x1  }
0x9c: {  	s16 =	simm.s32 $0x10100;
	v3 =	vadd.s32 v1, v3  }
0x9d: {  	[tilespmem:s16], [sflag:$0x3] =	stream.indirect_vreg.gather [hbm4b:s1+s4], $0x80, v4, vm0, $0xb8;
	[tilespmem:$0x18100] =	vst v63  }
0x9e: {  	s17 =	simm.s32 $0x10900  }
0x9f: {  	[tilespmem:s17], [sflag:$0x3] =	stream.indirect_vreg.gather [hbm4b:s8+s4], $0x80, v4, vm0, $0xb8;
	[tilespmem:$0x18100] =	vst v63  }
0xa0: {  	s18 =	simm.s32 $0x11100  }
0xa1: {  	[tilespmem:s18], [sflag:$0x3] =	stream.indirect_vreg.gather [hbm4b:s1+s4], $0x80, v3, vm0, $0xb8;
	[tilespmem:$0x18100] =	vst v63  }
0xa2: {  	s19 =	simm.s32 $0x11900  }
0xa3: {  	[tilespmem:s19], [sflag:$0x3] =	stream.indirect_vreg.gather [hbm4b:s8+s4], $0x80, v3, vm0, $0xb8;
	[tilespmem:$0x18100] =	vst v63  }
0xa4: {  	v3 =	vld [tilespmem:$0x90];
	_ =	sdelay $0x4  }
0xa5: {  	v61 =	vshll.u32 v3, $0x2  }
0xa6: {  	v3 =	vand.u32 $0x7, v3;
	v4 =	vand.u32 $0xFFFFFFE0, v61  }
0xa7: {  	v3 =	vor.u32 v3, v4  }
0xa8: {  	v4 =	vperm.xlane v3, v0;
	_ =	sdelay $0x1  }
0xa9: {  	v4 =	vadd.s32 v1, v4;
	_ =	sdelay $0x1  }
0xaa: {  	v3 =	vperm.xlane v3, v2;
	_ =	sdelay $0x1  }
0xab: {  	s20 =	simm.s32 $0x12100;
	v3 =	vadd.s32 v1, v3  }
0xac: {  	[tilespmem:s20], [sflag:$0x3] =	stream.indirect_vreg.gather [hbm4b:s1+s4], $0x80, v4, vm0, $0xb8;
	[tilespmem:$0x18100] =	vst v63  }
0xad: {  	s21 =	simm.s32 $0x12900  }
0xae: {  	[tilespmem:s21], [sflag:$0x3] =	stream.indirect_vreg.gather [hbm4b:s8+s4], $0x80, v4, vm0, $0xb8;
	[tilespmem:$0x18100] =	vst v63  }
0xaf: {  	s22 =	simm.s32 $0x13100  }
0xb0: {  	[tilespmem:s22], [sflag:$0x3] =	stream.indirect_vreg.gather [hbm4b:s1+s4], $0x80, v3, vm0, $0xb8;
	[tilespmem:$0x18100] =	vst v63  }
0xb1: {  	s16 =	simm.s32 $0x13900  }
0xb2: {  	[tilespmem:s16], [sflag:$0x3] =	stream.indirect_vreg.gather [hbm4b:s8+s4], $0x80, v3, vm0, $0xb8;
	[tilespmem:$0x18100] =	vst v63  }
0xb3: {  	v3 =	vld [tilespmem:$0xA0];
	_ =	sdelay $0x4  }
0xb4: {  	v62 =	vshll.u32 v3, $0x2  }
0xb5: {  	v3 =	vand.u32 $0x7, v3;
	v4 =	vand.u32 $0xFFFFFFE0, v62  }
0xb6: {  	v3 =	vor.u32 v3, v4  }
0xb7: {  	v4 =	vperm.xlane v3, v0;
	_ =	sdelay $0x1  }
0xb8: {  	v4 =	vadd.s32 v1, v4;
	_ =	sdelay $0x1  }
0xb9: {  	v3 =	vperm.xlane v3, v2;
	_ =	sdelay $0x1  }
0xba: {  	s17 =	simm.s32 $0x14100;
	v3 =	vadd.s32 v1, v3  }
0xbb: {  	[tilespmem:s17], [sflag:$0x3] =	stream.indirect_vreg.gather [hbm4b:s1+s4], $0x80, v4, vm0, $0xb8;
	[tilespmem:$0x18100] =	vst v63  }
0xbc: {  	s18 =	simm.s32 $0x14900  }
0xbd: {  	[tilespmem:s18], [sflag:$0x3] =	stream.indirect_vreg.gather [hbm4b:s8+s4], $0x80, v4, vm0, $0xb8;
	[tilespmem:$0x18100] =	vst v63  }
0xbe: {  	s19 =	simm.s32 $0x15100  }
0xbf: {  	[tilespmem:s19], [sflag:$0x3] =	stream.indirect_vreg.gather [hbm4b:s1+s4], $0x80, v3, vm0, $0xb8;
	[tilespmem:$0x18100] =	vst v63  }
0xc0: {  	s20 =	simm.s32 $0x15900  }
0xc1: {  	[tilespmem:s20], [sflag:$0x3] =	stream.indirect_vreg.gather [hbm4b:s8+s4], $0x80, v3, vm0, $0xb8;
	[tilespmem:$0x18100] =	vst v63  }
0xc2: {  	v3 =	vld [tilespmem:$0xB0];
	_ =	sdelay $0x4  }
0xc3: {  	v63 =	vshll.u32 v3, $0x2  }
0xc4: {  	v3 =	vand.u32 $0x7, v3;
	v4 =	vand.u32 $0xFFFFFFE0, v63  }
0xc5: {  	v3 =	vor.u32 v3, v4  }
0xc6: {  	v4 =	vperm.xlane v3, v0;
	_ =	sdelay $0x1  }
0xc7: {  	v4 =	vadd.s32 v1, v4;
	_ =	sdelay $0x1  }
0xc8: {  	v3 =	vperm.xlane v3, v2;
	_ =	sdelay $0x1  }
0xc9: {  	s21 =	simm.s32 $0x16100;
	v3 =	vadd.s32 v1, v3  }
0xca: {  	[tilespmem:s21], [sflag:$0x3] =	stream.indirect_vreg.gather [hbm4b:s1+s4], $0x80, v4, vm0, $0xb8;
	[tilespmem:$0x18100] =	vst v63  }
0xcb: {  	s22 =	simm.s32 $0x16900  }
0xcc: {  	[tilespmem:s22], [sflag:$0x3] =	stream.indirect_vreg.gather [hbm4b:s8+s4], $0x80, v4, vm0, $0xb8;
	[tilespmem:$0x18100] =	vst v63  }
0xcd: {  	s16 =	simm.s32 $0x17100  }
0xce: {  	[tilespmem:s16], [sflag:$0x3] =	stream.indirect_vreg.gather [hbm4b:s1+s4], $0x80, v3, vm0, $0xb8;
	[tilespmem:$0x18100] =	vst v63  }
0xcf: {  	s17 =	simm.s32 $0x17900  }
0xd0: {  	[tilespmem:s17], [sflag:$0x3] =	stream.indirect_vreg.gather [hbm4b:s8+s4], $0x80, v3, vm0, $0xb8;
	[tilespmem:$0x18100] =	vst v63  }
0xd1: {  	_ =	swait.ge [sflag:s5], $0x8000  }
0xd2: {  	s18 =	rddreg [dreg:$0x4]  }
0xd3: {  	s9 =	sor.u32 s4, s18  }
0xd4: {  	s9 =	sor.u32 s6, s9  }
0xd5: {  	[sflag:s5] =	ssyncset.done $0x0;
	s9 =	sshrl.u32 s9, $0x3  }
0xd6: {  	s16 =	simm.s32 $0x100;
	[sflag:s5] =	ssyncadd.s32 $0xFFFF8000;
	s17 =	sadd.s32 s3, s9  }
0xd7: {  	[hbm4b:s17+s4] =	stream.linear.scatter [tilespmem:s16], [sflag:$0x4], $0x80, $0x38;
	[tilespmem:$0x18100] =	vst v63  }
0xd8: {  	s19 =	simm.s32 $0x500;
	s20 =	sadd.s32 $0x80, s17  }
0xd9: {  	[hbm4b:s20+s4] =	stream.linear.scatter [tilespmem:s19], [sflag:$0x4], $0x80, $0x38;
	[tilespmem:$0x18100] =	vst v63  }
0xda: {  	s21 =	simm.s32 $0x900;
	s22 =	sadd.s32 $0x100, s17  }
0xdb: {  	[hbm4b:s22+s4] =	stream.linear.scatter [tilespmem:s21], [sflag:$0x4], $0x80, $0x38;
	[tilespmem:$0x18100] =	vst v63  }
0xdc: {  	s16 =	simm.s32 $0xD00;
	s18 =	sadd.s32 $0x180, s17  }
0xdd: {  	[hbm4b:s18+s4] =	stream.linear.scatter [tilespmem:s16], [sflag:$0x4], $0x80, $0x38;
	[tilespmem:$0x18100] =	vst v63  }
0xde: {  	s19 =	simm.s32 $0x180;
	s20 =	sadd.s32 $0x200, s17  }
0xdf: {  	[hbm4b:s20+s4] =	stream.linear.scatter [tilespmem:s19], [sflag:$0x4], $0x80, $0x38;
	[tilespmem:$0x18100] =	vst v63  }
0xe0: {  	s21 =	simm.s32 $0x580;
	s22 =	sadd.s32 $0x280, s17  }
0xe1: {  	[hbm4b:s22+s4] =	stream.linear.scatter [tilespmem:s21], [sflag:$0x4], $0x80, $0x38;
	[tilespmem:$0x18100] =	vst v63  }
0xe2: {  	s16 =	simm.s32 $0x980;
	s18 =	sadd.s32 $0x300, s17  }
0xe3: {  	[hbm4b:s18+s4] =	stream.linear.scatter [tilespmem:s16], [sflag:$0x4], $0x80, $0x38;
	[tilespmem:$0x18100] =	vst v63  }
0xe4: {  	s19 =	simm.s32 $0xD80;
	s20 =	sadd.s32 $0x380, s17  }
0xe5: {  	[hbm4b:s20+s4] =	stream.linear.scatter [tilespmem:s19], [sflag:$0x4], $0x80, $0x38;
	[tilespmem:$0x18100] =	vst v63  }
0xe6: {  	s21 =	simm.s32 $0x200;
	s22 =	sadd.s32 $0x400, s17  }
0xe7: {  	[hbm4b:s22+s4] =	stream.linear.scatter [tilespmem:s21], [sflag:$0x4], $0x80, $0x38;
	[tilespmem:$0x18100] =	vst v63  }
0xe8: {  	s16 =	simm.s32 $0x600;
	s18 =	sadd.s32 $0x480, s17  }
0xe9: {  	[hbm4b:s18+s4] =	stream.linear.scatter [tilespmem:s16], [sflag:$0x4], $0x80, $0x38;
	[tilespmem:$0x18100] =	vst v63  }
0xea: {  	s19 =	simm.s32 $0xA00;
	s20 =	sadd.s32 $0x500, s17  }
0xeb: {  	[hbm4b:s20+s4] =	stream.linear.scatter [tilespmem:s19], [sflag:$0x4], $0x80, $0x38;
	[tilespmem:$0x18100] =	vst v63  }
0xec: {  	s21 =	simm.s32 $0xE00;
	s22 =	sadd.s32 $0x580, s17  }
0xed: {  	[hbm4b:s22+s4] =	stream.linear.scatter [tilespmem:s21], [sflag:$0x4], $0x80, $0x38;
	[tilespmem:$0x18100] =	vst v63  }
0xee: {  	s16 =	simm.s32 $0x280;
	s18 =	sadd.s32 $0x600, s17  }
0xef: {  	[hbm4b:s18+s4] =	stream.linear.scatter [tilespmem:s16], [sflag:$0x4], $0x80, $0x38;
	[tilespmem:$0x18100] =	vst v63  }
0xf0: {  	s19 =	simm.s32 $0x680;
	s20 =	sadd.s32 $0x680, s17  }
0xf1: {  	[hbm4b:s20+s4] =	stream.linear.scatter [tilespmem:s19], [sflag:$0x4], $0x80, $0x38;
	[tilespmem:$0x18100] =	vst v63  }
0xf2: {  	s21 =	simm.s32 $0xA80;
	s22 =	sadd.s32 $0x700, s17  }
0xf3: {  	[hbm4b:s22+s4] =	stream.linear.scatter [tilespmem:s21], [sflag:$0x4], $0x80, $0x38;
	[tilespmem:$0x18100] =	vst v63  }
0xf4: {  	s16 =	simm.s32 $0xE80;
	s18 =	sadd.s32 $0x780, s17  }
0xf5: {  	[hbm4b:s18+s4] =	stream.linear.scatter [tilespmem:s16], [sflag:$0x4], $0x80, $0x38;
	[tilespmem:$0x18100] =	vst v63  }
0xf6: {  	s19 =	simm.s32 $0x300;
	s20 =	sadd.s32 $0x800, s17  }
0xf7: {  	[hbm4b:s20+s4] =	stream.linear.scatter [tilespmem:s19], [sflag:$0x4], $0x80, $0x38;
	[tilespmem:$0x18100] =	vst v63  }
0xf8: {  	s21 =	simm.s32 $0x700;
	s22 =	sadd.s32 $0x880, s17  }
0xf9: {  	[hbm4b:s22+s4] =	stream.linear.scatter [tilespmem:s21], [sflag:$0x4], $0x80, $0x38;
	[tilespmem:$0x18100] =	vst v63  }
0xfa: {  	s16 =	simm.s32 $0xB00;
	s18 =	sadd.s32 $0x900, s17  }
0xfb: {  	[hbm4b:s18+s4] =	stream.linear.scatter [tilespmem:s16], [sflag:$0x4], $0x80, $0x38;
	[tilespmem:$0x18100] =	vst v63  }
0xfc: {  	s19 =	simm.s32 $0xF00;
	s20 =	sadd.s32 $0x980, s17  }
0xfd: {  	[hbm4b:s20+s4] =	stream.linear.scatter [tilespmem:s19], [sflag:$0x4], $0x80, $0x38;
	[tilespmem:$0x18100] =	vst v63  }
0xfe: {  	s21 =	simm.s32 $0x380;
	s22 =	sadd.s32 $0xA00, s17  }
0xff: {  	[hbm4b:s22+s4] =	stream.linear.scatter [tilespmem:s21], [sflag:$0x4], $0x80, $0x38;
	[tilespmem:$0x18100] =	vst v63  }
0x100: {  	s16 =	simm.s32 $0x780;
	s18 =	sadd.s32 $0xA80, s17  }
0x101: {  	[hbm4b:s18+s4] =	stream.linear.scatter [tilespmem:s16], [sflag:$0x4], $0x80, $0x38;
	[tilespmem:$0x18100] =	vst v63  }
0x102: {  	s19 =	simm.s32 $0xB80;
	s20 =	sadd.s32 $0xB00, s17  }
0x103: {  	[hbm4b:s20+s4] =	stream.linear.scatter [tilespmem:s19], [sflag:$0x4], $0x80, $0x38;
	[tilespmem:$0x18100] =	vst v63  }
0x104: {  	s21 =	simm.s32 $0xF80;
	s22 =	sadd.s32 $0xB80, s17  }
0x105: {  	[hbm4b:s22+s4] =	stream.linear.scatter [tilespmem:s21], [sflag:$0x4], $0x80, $0x38;
	[tilespmem:$0x18100] =	vst v63  }
0x106: {  	s16 =	simm.s32 $0x400;
	s18 =	sadd.s32 $0xC00, s17  }
0x107: {  	[hbm4b:s18+s4] =	stream.linear.scatter [tilespmem:s16], [sflag:$0x4], $0x80, $0x38;
	[tilespmem:$0x18100] =	vst v63  }
0x108: {  	s9 =	sadd.s32 $0xF00, s17;
	s19 =	simm.s32 $0x800;
	s20 =	sadd.s32 $0xC80, s17  }
0x109: {  	[hbm4b:s20+s4] =	stream.linear.scatter [tilespmem:s19], [sflag:$0x4], $0x80, $0x38;
	[tilespmem:$0x18100] =	vst v63  }
0x10a: {  	s21 =	simm.s32 $0xC00;
	s22 =	sadd.s32 $0xD00, s17;
	s16 =	simm.s32 $0x1000  }
0x10b: {  	[hbm4b:s22+s4] =	stream.linear.scatter [tilespmem:s21], [sflag:$0x4], $0x80, $0x38;
	[tilespmem:$0x18100] =	vst v63  }
0x10c: {  	s18 =	sadd.s32 $0xD80, s17;
	s19 =	simm.s32 $0x480;
	s20 =	sadd.s32 $0xE00, s17  }
0x10d: {  	[hbm4b:s18+s4] =	stream.linear.scatter [tilespmem:s16], [sflag:$0x4], $0x80, $0x38;
	[tilespmem:$0x18100] =	vst v63  }
0x10e: {  	s21 =	rddreg [dreg:$0x4];
	s22 =	simm.s32 $0x880;
	s18 =	simm.s32 $0x1080  }
0x10f: {  	[hbm4b:s20+s4] =	stream.linear.scatter [tilespmem:s19], [sflag:$0x4], $0x80, $0x38;
	[tilespmem:$0x18100] =	vst v63  }
0x110: {  	s16 =	simm.s32 $0x2080;
	s19 =	sadd.s32 $0xE80, s17;
	s20 =	simm.s32 $0x8000  }
0x111: {  	[hbm4b:s19+s4] =	stream.linear.scatter [tilespmem:s22], [sflag:$0x4], $0x80, $0x38;
	[tilespmem:$0x18100] =	vst v63  }
0x112: {  	s21 =	sor.u32 s20, s21;
	s19 =	simm.s32 $0x8;
	s22 =	simm.s32 $0xC80  }
.LBB2_2:
0x113: {  	[hbm4b:s9+s4] =	stream.linear.scatter [tilespmem:s22], [sflag:$0x4], $0x80, $0x38;
	[tilespmem:$0x18100] =	vst v63  }
0x114: {  	s21 =	sor.u32 s6, s21  }
0x115: {  	s17 =	sadd.s32 $0xF80, s17;
	s9 =	sshrl.u32 s21, $0x3  }
0x116: {  	[hbm4b:s17+s4] =	stream.linear.scatter [tilespmem:s18], [sflag:$0x4], $0x80, $0x38;
	[tilespmem:$0x18100] =	vst v63  }
0x117: {  	s22 =	sadd.s32 $0xFFFFF080, s16;
	s17 =	sadd.s32 s3, s9  }
0x118: {  	[hbm4b:s17+s4] =	stream.linear.scatter [tilespmem:s22], [sflag:$0x4], $0x80, $0x38;
	[tilespmem:$0x18100] =	vst v63  }
0x119: {  	s21 =	sadd.s32 $0xFFFFF480, s16;
	s22 =	sadd.s32 $0x80, s17  }
0x11a: {  	[hbm4b:s22+s4] =	stream.linear.scatter [tilespmem:s21], [sflag:$0x4], $0x80, $0x38;
	[tilespmem:$0x18100] =	vst v63  }
0x11b: {  	s21 =	sadd.s32 $0xFFFFF880, s16;
	s22 =	sadd.s32 $0x100, s17  }
0x11c: {  	[hbm4b:s22+s4] =	stream.linear.scatter [tilespmem:s21], [sflag:$0x4], $0x80, $0x38;
	[tilespmem:$0x18100] =	vst v63  }
0x11d: {  	s21 =	sadd.s32 $0xFFFFFC80, s16;
	s22 =	sadd.s32 $0x180, s17  }
0x11e: {  	[hbm4b:s22+s4] =	stream.linear.scatter [tilespmem:s21], [sflag:$0x4], $0x80, $0x38;
	[tilespmem:$0x18100] =	vst v63  }
0x11f: {  	s21 =	sadd.s32 $0xFFFFF100, s16;
	s22 =	sadd.s32 $0x200, s17  }
0x120: {  	[hbm4b:s22+s4] =	stream.linear.scatter [tilespmem:s21], [sflag:$0x4], $0x80, $0x38;
	[tilespmem:$0x18100] =	vst v63  }
0x121: {  	s21 =	sadd.s32 $0xFFFFF500, s16;
	s22 =	sadd.s32 $0x280, s17  }
0x122: {  	[hbm4b:s22+s4] =	stream.linear.scatter [tilespmem:s21], [sflag:$0x4], $0x80, $0x38;
	[tilespmem:$0x18100] =	vst v63  }
0x123: {  	s21 =	sadd.s32 $0xFFFFF900, s16;
	s22 =	sadd.s32 $0x300, s17  }
0x124: {  	[hbm4b:s22+s4] =	stream.linear.scatter [tilespmem:s21], [sflag:$0x4], $0x80, $0x38;
	[tilespmem:$0x18100] =	vst v63  }
0x125: {  	s21 =	sadd.s32 $0xFFFFFD00, s16;
	s22 =	sadd.s32 $0x380, s17  }
0x126: {  	[hbm4b:s22+s4] =	stream.linear.scatter [tilespmem:s21], [sflag:$0x4], $0x80, $0x38;
	[tilespmem:$0x18100] =	vst v63  }
0x127: {  	s21 =	sadd.s32 $0xFFFFF180, s16;
	s22 =	sadd.s32 $0x400, s17  }
0x128: {  	[hbm4b:s22+s4] =	stream.linear.scatter [tilespmem:s21], [sflag:$0x4], $0x80, $0x38;
	[tilespmem:$0x18100] =	vst v63  }
0x129: {  	s21 =	sadd.s32 $0xFFFFF580, s16;
	s22 =	sadd.s32 $0x480, s17  }
0x12a: {  	[hbm4b:s22+s4] =	stream.linear.scatter [tilespmem:s21], [sflag:$0x4], $0x80, $0x38;
	[tilespmem:$0x18100] =	vst v63  }
0x12b: {  	s21 =	sadd.s32 $0xFFFFF980, s16;
	s22 =	sadd.s32 $0x500, s17  }
0x12c: {  	[hbm4b:s22+s4] =	stream.linear.scatter [tilespmem:s21], [sflag:$0x4], $0x80, $0x38;
	[tilespmem:$0x18100] =	vst v63  }
0x12d: {  	s21 =	sadd.s32 $0xFFFFFD80, s16;
	s22 =	sadd.s32 $0x580, s17  }
0x12e: {  	[hbm4b:s22+s4] =	stream.linear.scatter [tilespmem:s21], [sflag:$0x4], $0x80, $0x38;
	[tilespmem:$0x18100] =	vst v63  }
0x12f: {  	s21 =	sadd.s32 $0xFFFFF200, s16;
	s22 =	sadd.s32 $0x600, s17  }
0x130: {  	[hbm4b:s22+s4] =	stream.linear.scatter [tilespmem:s21], [sflag:$0x4], $0x80, $0x38;
	[tilespmem:$0x18100] =	vst v63  }
0x131: {  	s21 =	sadd.s32 $0xFFFFF600, s16;
	s22 =	sadd.s32 $0x680, s17  }
0x132: {  	[hbm4b:s22+s4] =	stream.linear.scatter [tilespmem:s21], [sflag:$0x4], $0x80, $0x38;
	[tilespmem:$0x18100] =	vst v63  }
0x133: {  	s21 =	sadd.s32 $0xFFFFFA00, s16;
	s22 =	sadd.s32 $0x700, s17  }
0x134: {  	[hbm4b:s22+s4] =	stream.linear.scatter [tilespmem:s21], [sflag:$0x4], $0x80, $0x38;
	[tilespmem:$0x18100] =	vst v63  }
0x135: {  	s21 =	sadd.s32 $0xFFFFFE00, s16;
	s22 =	sadd.s32 $0x780, s17  }
0x136: {  	[hbm4b:s22+s4] =	stream.linear.scatter [tilespmem:s21], [sflag:$0x4], $0x80, $0x38;
	[tilespmem:$0x18100] =	vst v63  }
0x137: {  	s21 =	sadd.s32 $0xFFFFF280, s16;
	s22 =	sadd.s32 $0x800, s17  }
0x138: {  	[hbm4b:s22+s4] =	stream.linear.scatter [tilespmem:s21], [sflag:$0x4], $0x80, $0x38;
	[tilespmem:$0x18100] =	vst v63  }
0x139: {  	s21 =	sadd.s32 $0xFFFFF680, s16;
	s22 =	sadd.s32 $0x880, s17  }
0x13a: {  	[hbm4b:s22+s4] =	stream.linear.scatter [tilespmem:s21], [sflag:$0x4], $0x80, $0x38;
	[tilespmem:$0x18100] =	vst v63  }
0x13b: {  	s21 =	sadd.s32 $0xFFFFFA80, s16;
	s22 =	sadd.s32 $0x900, s17  }
0x13c: {  	[hbm4b:s22+s4] =	stream.linear.scatter [tilespmem:s21], [sflag:$0x4], $0x80, $0x38;
	[tilespmem:$0x18100] =	vst v63  }
0x13d: {  	s21 =	sadd.s32 $0xFFFFFE80, s16;
	s22 =	sadd.s32 $0x980, s17  }
0x13e: {  	[hbm4b:s22+s4] =	stream.linear.scatter [tilespmem:s21], [sflag:$0x4], $0x80, $0x38;
	[tilespmem:$0x18100] =	vst v63  }
0x13f: {  	s21 =	sadd.s32 $0xFFFFF300, s16;
	s22 =	sadd.s32 $0xA00, s17  }
0x140: {  	[hbm4b:s22+s4] =	stream.linear.scatter [tilespmem:s21], [sflag:$0x4], $0x80, $0x38;
	[tilespmem:$0x18100] =	vst v63  }
0x141: {  	s21 =	sadd.s32 $0xFFFFF700, s16;
	s22 =	sadd.s32 $0xA80, s17  }
0x142: {  	[hbm4b:s22+s4] =	stream.linear.scatter [tilespmem:s21], [sflag:$0x4], $0x80, $0x38;
	[tilespmem:$0x18100] =	vst v63  }
0x143: {  	s21 =	sadd.s32 $0xFFFFFB00, s16;
	s22 =	sadd.s32 $0xB00, s17  }
0x144: {  	[hbm4b:s22+s4] =	stream.linear.scatter [tilespmem:s21], [sflag:$0x4], $0x80, $0x38;
	[tilespmem:$0x18100] =	vst v63  }
0x145: {  	s19 =	sadd.s32 $0x8, s19;
	s21 =	sadd.s32 $0xFFFFFF00, s16;
	s22 =	sadd.s32 $0xB80, s17  }
0x146: {  	[hbm4b:s22+s4] =	stream.linear.scatter [tilespmem:s21], [sflag:$0x4], $0x80, $0x38;
	[tilespmem:$0x18100] =	vst v63  }
0x147: {  	s20 =	sadd.s32 $0x8000, s20;
	s21 =	sadd.s32 $0xFFFFF380, s16;
	s22 =	sadd.s32 $0xC00, s17  }
0x148: {  	[hbm4b:s22+s4] =	stream.linear.scatter [tilespmem:s21], [sflag:$0x4], $0x80, $0x38;
	[tilespmem:$0x18100] =	vst v63  }
0x149: {  	p0 =	slt.u32 s19, $0x38;
	s21 =	sadd.s32 $0xFFFFF780, s16;
	s22 =	sadd.s32 $0xC80, s17  }
0x14a: {  	[hbm4b:s22+s4] =	stream.linear.scatter [tilespmem:s21], [sflag:$0x4], $0x80, $0x38;
	[tilespmem:$0x18100] =	vst v63  }
0x14b: {  	s18 =	smov.u32 s16;
	s21 =	sadd.s32 $0xFFFFFB80, s16;
	s22 =	sadd.s32 $0xD00, s17  }
0x14c: {  	[hbm4b:s22+s4] =	stream.linear.scatter [tilespmem:s21], [sflag:$0x4], $0x80, $0x38;
	[tilespmem:$0x18100] =	vst v63  }
0x14d: {  	s9 =	rddreg [dreg:$0x4];
	s21 =	sadd.s32 $0xFFFFFF80, s18;
	s22 =	sadd.s32 $0xD80, s17  }
0x14e: {  	[hbm4b:s22+s4] =	stream.linear.scatter [tilespmem:s21], [sflag:$0x4], $0x80, $0x38;
	[tilespmem:$0x18100] =	vst v63  }
.Ltmp0:
0x14f: {  	s21 =	sadd.s32 $0xFFFFF400, s18;
	s22 =	sadd.s32 $0xE00, s17;
	(pc) =	sbr.rel @p0 .LBB2_2-.Ltmp0, $4  }
0x150: {  	[hbm4b:s22+s4] =	stream.linear.scatter [tilespmem:s21], [sflag:$0x4], $0x80, $0x38;
	[tilespmem:$0x18100] =	vst v63  }
0x151: {  	s16 =	sadd.s32 $0x1000, s16;
	s21 =	sadd.s32 $0xFFFFF800, s18;
	s22 =	sadd.s32 $0xE80, s17  }
0x152: {  	[hbm4b:s22+s4] =	stream.linear.scatter [tilespmem:s21], [sflag:$0x4], $0x80, $0x38;
	[tilespmem:$0x18100] =	vst v63  }
0x153: {  	s21 =	sor.u32 s20, s9;
	s22 =	sadd.s32 $0xFFFFFC00, s18;
	s9 =	sadd.s32 $0xF00, s17  }
0x154: {  	[hbm4b:s9+s4] =	stream.linear.scatter [tilespmem:s22], [sflag:$0x4], $0x80, $0x38;
	[tilespmem:$0x18100] =	vst v63  }
0x155: {  	s21 =	sor.u32 s6, s21  }
0x156: {  	s17 =	sadd.s32 $0xF80, s17;
	s9 =	sshrl.u32 s21, $0x3  }
0x157: {  	[hbm4b:s17+s4] =	stream.linear.scatter [tilespmem:s18], [sflag:$0x4], $0x80, $0x38;
	[tilespmem:$0x18100] =	vst v63  }
0x158: {  	s22 =	sadd.s32 $0xFFFFF080, s16;
	s17 =	sadd.s32 s3, s9  }
0x159: {  	[hbm4b:s17+s4] =	stream.linear.scatter [tilespmem:s22], [sflag:$0x4], $0x80, $0x38;
	[tilespmem:$0x18100] =	vst v63  }
0x15a: {  	s19 =	sadd.s32 $0xFFFFF480, s16;
	s20 =	sadd.s32 $0x80, s17  }
0x15b: {  	[hbm4b:s20+s4] =	stream.linear.scatter [tilespmem:s19], [sflag:$0x4], $0x80, $0x38;
	[tilespmem:$0x18100] =	vst v63  }
0x15c: {  	s21 =	sadd.s32 $0xFFFFF880, s16;
	s22 =	sadd.s32 $0x100, s17  }
0x15d: {  	[hbm4b:s22+s4] =	stream.linear.scatter [tilespmem:s21], [sflag:$0x4], $0x80, $0x38;
	[tilespmem:$0x18100] =	vst v63  }
0x15e: {  	s19 =	sadd.s32 $0xFFFFFC80, s16;
	s20 =	sadd.s32 $0x180, s17  }
0x15f: {  	[hbm4b:s20+s4] =	stream.linear.scatter [tilespmem:s19], [sflag:$0x4], $0x80, $0x38;
	[tilespmem:$0x18100] =	vst v63  }
0x160: {  	s21 =	sadd.s32 $0xFFFFF100, s16;
	s22 =	sadd.s32 $0x200, s17  }
0x161: {  	[hbm4b:s22+s4] =	stream.linear.scatter [tilespmem:s21], [sflag:$0x4], $0x80, $0x38;
	[tilespmem:$0x18100] =	vst v63  }
0x162: {  	s19 =	sadd.s32 $0xFFFFF500, s16;
	s20 =	sadd.s32 $0x280, s17  }
0x163: {  	[hbm4b:s20+s4] =	stream.linear.scatter [tilespmem:s19], [sflag:$0x4], $0x80, $0x38;
	[tilespmem:$0x18100] =	vst v63  }
0x164: {  	s21 =	sadd.s32 $0xFFFFF900, s16;
	s22 =	sadd.s32 $0x300, s17  }
0x165: {  	[hbm4b:s22+s4] =	stream.linear.scatter [tilespmem:s21], [sflag:$0x4], $0x80, $0x38;
	[tilespmem:$0x18100] =	vst v63  }
0x166: {  	s19 =	sadd.s32 $0xFFFFFD00, s16;
	s20 =	sadd.s32 $0x380, s17  }
0x167: {  	[hbm4b:s20+s4] =	stream.linear.scatter [tilespmem:s19], [sflag:$0x4], $0x80, $0x38;
	[tilespmem:$0x18100] =	vst v63  }
0x168: {  	s21 =	sadd.s32 $0xFFFFF180, s16;
	s22 =	sadd.s32 $0x400, s17  }
0x169: {  	[hbm4b:s22+s4] =	stream.linear.scatter [tilespmem:s21], [sflag:$0x4], $0x80, $0x38;
	[tilespmem:$0x18100] =	vst v63  }
0x16a: {  	s19 =	sadd.s32 $0xFFFFF580, s16;
	s20 =	sadd.s32 $0x480, s17  }
0x16b: {  	[hbm4b:s20+s4] =	stream.linear.scatter [tilespmem:s19], [sflag:$0x4], $0x80, $0x38;
	[tilespmem:$0x18100] =	vst v63  }
0x16c: {  	s21 =	sadd.s32 $0xFFFFF980, s16;
	s22 =	sadd.s32 $0x500, s17  }
0x16d: {  	[hbm4b:s22+s4] =	stream.linear.scatter [tilespmem:s21], [sflag:$0x4], $0x80, $0x38;
	[tilespmem:$0x18100] =	vst v63  }
0x16e: {  	s19 =	sadd.s32 $0xFFFFFD80, s16;
	s20 =	sadd.s32 $0x580, s17  }
0x16f: {  	[hbm4b:s20+s4] =	stream.linear.scatter [tilespmem:s19], [sflag:$0x4], $0x80, $0x38;
	[tilespmem:$0x18100] =	vst v63  }
0x170: {  	s21 =	sadd.s32 $0xFFFFF200, s16;
	s22 =	sadd.s32 $0x600, s17  }
0x171: {  	[hbm4b:s22+s4] =	stream.linear.scatter [tilespmem:s21], [sflag:$0x4], $0x80, $0x38;
	[tilespmem:$0x18100] =	vst v63  }
0x172: {  	s19 =	sadd.s32 $0xFFFFF600, s16;
	s20 =	sadd.s32 $0x680, s17  }
0x173: {  	[hbm4b:s20+s4] =	stream.linear.scatter [tilespmem:s19], [sflag:$0x4], $0x80, $0x38;
	[tilespmem:$0x18100] =	vst v63  }
0x174: {  	s21 =	sadd.s32 $0xFFFFFA00, s16;
	s22 =	sadd.s32 $0x700, s17  }
0x175: {  	[hbm4b:s22+s4] =	stream.linear.scatter [tilespmem:s21], [sflag:$0x4], $0x80, $0x38;
	[tilespmem:$0x18100] =	vst v63  }
0x176: {  	s19 =	sadd.s32 $0xFFFFFE00, s16;
	s20 =	sadd.s32 $0x780, s17  }
0x177: {  	[hbm4b:s20+s4] =	stream.linear.scatter [tilespmem:s19], [sflag:$0x4], $0x80, $0x38;
	[tilespmem:$0x18100] =	vst v63  }
0x178: {  	s21 =	sadd.s32 $0xFFFFF280, s16;
	s22 =	sadd.s32 $0x800, s17  }
0x179: {  	[hbm4b:s22+s4] =	stream.linear.scatter [tilespmem:s21], [sflag:$0x4], $0x80, $0x38;
	[tilespmem:$0x18100] =	vst v63  }
0x17a: {  	s19 =	sadd.s32 $0xFFFFF680, s16;
	s20 =	sadd.s32 $0x880, s17  }
0x17b: {  	[hbm4b:s20+s4] =	stream.linear.scatter [tilespmem:s19], [sflag:$0x4], $0x80, $0x38;
	[tilespmem:$0x18100] =	vst v63  }
0x17c: {  	s21 =	sadd.s32 $0xFFFFFA80, s16;
	s22 =	sadd.s32 $0x900, s17  }
0x17d: {  	[hbm4b:s22+s4] =	stream.linear.scatter [tilespmem:s21], [sflag:$0x4], $0x80, $0x38;
	[tilespmem:$0x18100] =	vst v63  }
0x17e: {  	s19 =	sadd.s32 $0xFFFFFE80, s16;
	s20 =	sadd.s32 $0x980, s17  }
0x17f: {  	[hbm4b:s20+s4] =	stream.linear.scatter [tilespmem:s19], [sflag:$0x4], $0x80, $0x38;
	[tilespmem:$0x18100] =	vst v63  }
0x180: {  	s21 =	sadd.s32 $0xFFFFF300, s16;
	s22 =	sadd.s32 $0xA00, s17  }
0x181: {  	[hbm4b:s22+s4] =	stream.linear.scatter [tilespmem:s21], [sflag:$0x4], $0x80, $0x38;
	[tilespmem:$0x18100] =	vst v63  }
0x182: {  	s19 =	sadd.s32 $0xFFFFF700, s16;
	s20 =	sadd.s32 $0xA80, s17  }
0x183: {  	[hbm4b:s20+s4] =	stream.linear.scatter [tilespmem:s19], [sflag:$0x4], $0x80, $0x38;
	[tilespmem:$0x18100] =	vst v63  }
0x184: {  	s21 =	sadd.s32 $0xFFFFFB00, s16;
	s22 =	sadd.s32 $0xB00, s17  }
0x185: {  	[hbm4b:s22+s4] =	stream.linear.scatter [tilespmem:s21], [sflag:$0x4], $0x80, $0x38;
	[tilespmem:$0x18100] =	vst v63  }
0x186: {  	s19 =	sadd.s32 $0xFFFFFF00, s16;
	s20 =	sadd.s32 $0xB80, s17  }
0x187: {  	[hbm4b:s20+s4] =	stream.linear.scatter [tilespmem:s19], [sflag:$0x4], $0x80, $0x38;
	[tilespmem:$0x18100] =	vst v63  }
0x188: {  	s21 =	sadd.s32 $0xFFFFF380, s16;
	s22 =	sadd.s32 $0xC00, s17  }
0x189: {  	[hbm4b:s22+s4] =	stream.linear.scatter [tilespmem:s21], [sflag:$0x4], $0x80, $0x38;
	[tilespmem:$0x18100] =	vst v63  }
0x18a: {  	s19 =	sadd.s32 $0xFFFFF780, s16;
	s20 =	sadd.s32 $0xC80, s17  }
0x18b: {  	[hbm4b:s20+s4] =	stream.linear.scatter [tilespmem:s19], [sflag:$0x4], $0x80, $0x38;
	[tilespmem:$0x18100] =	vst v63  }
0x18c: {  	s21 =	sadd.s32 $0xFFFFFB80, s16;
	s22 =	sadd.s32 $0xD00, s17  }
0x18d: {  	[hbm4b:s22+s4] =	stream.linear.scatter [tilespmem:s21], [sflag:$0x4], $0x80, $0x38;
	[tilespmem:$0x18100] =	vst v63  }
0x18e: {  	s19 =	sadd.s32 $0xFFFFFF80, s16;
	s20 =	sadd.s32 $0xD80, s17  }
0x18f: {  	[hbm4b:s20+s4] =	stream.linear.scatter [tilespmem:s19], [sflag:$0x4], $0x80, $0x38;
	[tilespmem:$0x18100] =	vst v63  }
0x190: {  	s21 =	sadd.s32 $0xFFFFF400, s16;
	s22 =	sadd.s32 $0xE00, s17  }
0x191: {  	[hbm4b:s22+s4] =	stream.linear.scatter [tilespmem:s21], [sflag:$0x4], $0x80, $0x38;
	[tilespmem:$0x18100] =	vst v63  }
0x192: {  	s19 =	sadd.s32 $0xFFFFF800, s16;
	s20 =	sadd.s32 $0xE80, s17  }
0x193: {  	[hbm4b:s20+s4] =	stream.linear.scatter [tilespmem:s19], [sflag:$0x4], $0x80, $0x38;
	[tilespmem:$0x18100] =	vst v63  }
0x194: {  	s21 =	sadd.s32 $0xFFFFFC00, s16;
	s22 =	sadd.s32 $0xF00, s17  }
0x195: {  	[hbm4b:s22+s4] =	stream.linear.scatter [tilespmem:s21], [sflag:$0x4], $0x80, $0x38;
	[tilespmem:$0x18100] =	vst v63  }
0x196: {  	s19 =	sadd.s32 $0xF80, s17  }
0x197: {  	[hbm4b:s19+s4] =	stream.linear.scatter [tilespmem:s16], [sflag:$0x4], $0x80, $0x38;
	[tilespmem:$0x18100] =	vst v63  }
0x198: {  	_ =	swait.ge [sflag:s0], $0x8000  }
0x199: {  	[sflag:s0] =	ssyncset.done $0x0  }
0x19a: {  	[sflag:s0] =	ssyncadd.s32 $0xFFFF8000  }
0x19b: {  	v3 =	vld [tilespmem:$0xC0];
	_ =	sdelay $0x4  }
0x19c: {  	v4 =	vshll.u32 v3, $0x2  }
0x19d: {  	v3 =	vand.u32 $0x7, v3;
	v4 =	vand.u32 $0xFFFFFFE0, v4  }
0x19e: {  	v3 =	vor.u32 v3, v4  }
0x19f: {  	v4 =	vperm.xlane v3, v0;
	_ =	sdelay $0x1  }
0x1a0: {  	v4 =	vadd.s32 v1, v4;
	_ =	sdelay $0x1  }
0x1a1: {  	v3 =	vperm.xlane v3, v2;
	_ =	sdelay $0x1  }
0x1a2: {  	s21 =	simm.s32 $0x100;
	v3 =	vadd.s32 v1, v3  }
0x1a3: {  	[tilespmem:s21], [sflag:$0x1] =	stream.indirect_vreg.gather [hbm4b:s1+s4], $0x80, v4, vm0, $0xb8;
	[tilespmem:$0x18100] =	vst v63  }
0x1a4: {  	s22 =	simm.s32 $0x900  }
0x1a5: {  	[tilespmem:s22], [sflag:$0x1] =	stream.indirect_vreg.gather [hbm4b:s8+s4], $0x80, v4, vm0, $0xb8;
	[tilespmem:$0x18100] =	vst v63  }
0x1a6: {  	s20 =	simm.s32 $0x1100  }
0x1a7: {  	[tilespmem:s20], [sflag:$0x1] =	stream.indirect_vreg.gather [hbm4b:s1+s4], $0x80, v3, vm0, $0xb8;
	[tilespmem:$0x18100] =	vst v63  }
0x1a8: {  	s16 =	simm.s32 $0x1900  }
0x1a9: {  	[tilespmem:s16], [sflag:$0x1] =	stream.indirect_vreg.gather [hbm4b:s8+s4], $0x80, v3, vm0, $0xb8;
	[tilespmem:$0x18100] =	vst v63  }
0x1aa: {  	v3 =	vld [tilespmem:$0xD0];
	_ =	sdelay $0x4  }
0x1ab: {  	v61 =	vshll.u32 v3, $0x2  }
0x1ac: {  	v3 =	vand.u32 $0x7, v3;
	v4 =	vand.u32 $0xFFFFFFE0, v61  }
0x1ad: {  	v3 =	vor.u32 v3, v4  }
0x1ae: {  	v4 =	vperm.xlane v3, v0;
	_ =	sdelay $0x1  }
0x1af: {  	v4 =	vadd.s32 v1, v4;
	_ =	sdelay $0x1  }
0x1b0: {  	v3 =	vperm.xlane v3, v2;
	_ =	sdelay $0x1  }
0x1b1: {  	s17 =	simm.s32 $0x2100;
	v3 =	vadd.s32 v1, v3  }
0x1b2: {  	[tilespmem:s17], [sflag:$0x1] =	stream.indirect_vreg.gather [hbm4b:s1+s4], $0x80, v4, vm0, $0xb8;
	[tilespmem:$0x18100] =	vst v63  }
0x1b3: {  	s18 =	simm.s32 $0x2900  }
0x1b4: {  	[tilespmem:s18], [sflag:$0x1] =	stream.indirect_vreg.gather [hbm4b:s8+s4], $0x80, v4, vm0, $0xb8;
	[tilespmem:$0x18100] =	vst v63  }
0x1b5: {  	s19 =	simm.s32 $0x3100  }
0x1b6: {  	[tilespmem:s19], [sflag:$0x1] =	stream.indirect_vreg.gather [hbm4b:s1+s4], $0x80, v3, vm0, $0xb8;
	[tilespmem:$0x18100] =	vst v63  }
0x1b7: {  	s20 =	simm.s32 $0x3900  }
0x1b8: {  	[tilespmem:s20], [sflag:$0x1] =	stream.indirect_vreg.gather [hbm4b:s8+s4], $0x80, v3, vm0, $0xb8;
	[tilespmem:$0x18100] =	vst v63  }
0x1b9: {  	v3 =	vld [tilespmem:$0xE0];
	_ =	sdelay $0x4  }
0x1ba: {  	v62 =	vshll.u32 v3, $0x2  }
0x1bb: {  	v3 =	vand.u32 $0x7, v3;
	v4 =	vand.u32 $0xFFFFFFE0, v62  }
0x1bc: {  	v3 =	vor.u32 v3, v4  }
0x1bd: {  	v4 =	vperm.xlane v3, v0;
	_ =	sdelay $0x1  }
0x1be: {  	v4 =	vadd.s32 v1, v4;
	_ =	sdelay $0x1  }
0x1bf: {  	v3 =	vperm.xlane v3, v2;
	_ =	sdelay $0x1  }
0x1c0: {  	s16 =	simm.s32 $0x4100;
	v3 =	vadd.s32 v1, v3  }
0x1c1: {  	[tilespmem:s16], [sflag:$0x1] =	stream.indirect_vreg.gather [hbm4b:s1+s4], $0x80, v4, vm0, $0xb8;
	[tilespmem:$0x18100] =	vst v63  }
0x1c2: {  	_ = 	snop  }
0x1c3: {  	[tilespmem:s23], [sflag:$0x1] =	stream.indirect_vreg.gather [hbm4b:s8+s4], $0x80, v4, vm0, $0xb8;
	[tilespmem:$0x18100] =	vst v63  }
0x1c4: {  	_ = 	snop  }
0x1c5: {  	[tilespmem:s24], [sflag:$0x1] =	stream.indirect_vreg.gather [hbm4b:s1+s4], $0x80, v3, vm0, $0xb8;
	[tilespmem:$0x18100] =	vst v63  }
0x1c6: {  	_ = 	snop  }
0x1c7: {  	[tilespmem:s25], [sflag:$0x1] =	stream.indirect_vreg.gather [hbm4b:s8+s4], $0x80, v3, vm0, $0xb8;
	[tilespmem:$0x18100] =	vst v63  }
0x1c8: {  	v3 =	vld [tilespmem:$0xF0];
	_ =	sdelay $0x4  }
0x1c9: {  	v63 =	vshll.u32 v3, $0x2  }
0x1ca: {  	v3 =	vand.u32 $0x7, v3;
	v4 =	vand.u32 $0xFFFFFFE0, v63  }
0x1cb: {  	v3 =	vor.u32 v3, v4  }
0x1cc: {  	v4 =	vperm.xlane v3, v0;
	_ =	sdelay $0x1  }
0x1cd: {  	v4 =	vadd.s32 v1, v4;
	_ =	sdelay $0x1  }
0x1ce: {  	v3 =	vperm.xlane v3, v2;
	_ =	sdelay $0x1  }
0x1cf: {  	v3 =	vadd.s32 v1, v3  }
0x1d0: {  	[tilespmem:s26], [sflag:$0x1] =	stream.indirect_vreg.gather [hbm4b:s1+s4], $0x80, v4, vm0, $0xb8;
	[tilespmem:$0x18100] =	vst v63  }
0x1d1: {  	_ = 	snop  }
0x1d2: {  	[tilespmem:s28], [sflag:$0x1] =	stream.indirect_vreg.gather [hbm4b:s8+s4], $0x80, v4, vm0, $0xb8;
	[tilespmem:$0x18100] =	vst v63  }
0x1d3: {  	_ = 	snop  }
0x1d4: {  	[tilespmem:s29], [sflag:$0x1] =	stream.indirect_vreg.gather [hbm4b:s1+s4], $0x80, v3, vm0, $0xb8;
	[tilespmem:$0x18100] =	vst v63  }
0x1d5: {  	_ = 	snop  }
0x1d6: {  	[tilespmem:s30], [sflag:$0x1] =	stream.indirect_vreg.gather [hbm4b:s8+s4], $0x80, v3, vm0, $0xb8;
	[tilespmem:$0x18100] =	vst v63  }
0x1d7: {  	_ =	swait.ge [sflag:s31], $0x8000  }
0x1d8: {  	[sflag:s31] =	ssyncset.done $0x0  }
0x1d9: {  	s17 =	simm.s32 $0x8100;
	s18 =	sadd.s32 $0xFFFFF200, s10;
	[sflag:s31] =	ssyncadd.s32 $0xFFFF8000  }
0x1da: {  	[hbm4b:s18+s4] =	stream.linear.scatter [tilespmem:s17], [sflag:$0x5], $0x80, $0x38;
	[tilespmem:$0x18100] =	vst v63  }
0x1db: {  	s19 =	simm.s32 $0x8500;
	s20 =	sadd.s32 $0xFFFFF280, s10  }
0x1dc: {  	[hbm4b:s20+s4] =	stream.linear.scatter [tilespmem:s19], [sflag:$0x5], $0x80, $0x38;
	[tilespmem:$0x18100] =	vst v63  }
0x1dd: {  	s17 =	simm.s32 $0x8900;
	s18 =	sadd.s32 $0xFFFFF300, s10  }
0x1de: {  	[hbm4b:s18+s4] =	stream.linear.scatter [tilespmem:s17], [sflag:$0x5], $0x80, $0x38;
	[tilespmem:$0x18100] =	vst v63  }
0x1df: {  	s19 =	simm.s32 $0x8D00;
	s20 =	sadd.s32 $0xFFFFF380, s10  }
0x1e0: {  	[hbm4b:s20+s4] =	stream.linear.scatter [tilespmem:s19], [sflag:$0x5], $0x80, $0x38;
	[tilespmem:$0x18100] =	vst v63  }
0x1e1: {  	s17 =	simm.s32 $0x8180;
	s18 =	sadd.s32 $0xFFFFF400, s10  }
0x1e2: {  	[hbm4b:s18+s4] =	stream.linear.scatter [tilespmem:s17], [sflag:$0x5], $0x80, $0x38;
	[tilespmem:$0x18100] =	vst v63  }
0x1e3: {  	s19 =	simm.s32 $0x8580;
	s20 =	sadd.s32 $0xFFFFF480, s10  }
0x1e4: {  	[hbm4b:s20+s4] =	stream.linear.scatter [tilespmem:s19], [sflag:$0x5], $0x80, $0x38;
	[tilespmem:$0x18100] =	vst v63  }
0x1e5: {  	s17 =	simm.s32 $0x8980;
	s18 =	sadd.s32 $0xFFFFF500, s10  }
0x1e6: {  	[hbm4b:s18+s4] =	stream.linear.scatter [tilespmem:s17], [sflag:$0x5], $0x80, $0x38;
	[tilespmem:$0x18100] =	vst v63  }
0x1e7: {  	s19 =	simm.s32 $0x8D80;
	s20 =	sadd.s32 $0xFFFFF580, s10  }
0x1e8: {  	[hbm4b:s20+s4] =	stream.linear.scatter [tilespmem:s19], [sflag:$0x5], $0x80, $0x38;
	[tilespmem:$0x18100] =	vst v63  }
0x1e9: {  	s17 =	simm.s32 $0x8200;
	s18 =	sadd.s32 $0xFFFFF600, s10  }
0x1ea: {  	[hbm4b:s18+s4] =	stream.linear.scatter [tilespmem:s17], [sflag:$0x5], $0x80, $0x38;
	[tilespmem:$0x18100] =	vst v63  }
0x1eb: {  	s19 =	simm.s32 $0x8600;
	s20 =	sadd.s32 $0xFFFFF680, s10  }
0x1ec: {  	[hbm4b:s20+s4] =	stream.linear.scatter [tilespmem:s19], [sflag:$0x5], $0x80, $0x38;
	[tilespmem:$0x18100] =	vst v63  }
0x1ed: {  	s17 =	simm.s32 $0x8A00;
	s18 =	sadd.s32 $0xFFFFF700, s10  }
0x1ee: {  	[hbm4b:s18+s4] =	stream.linear.scatter [tilespmem:s17], [sflag:$0x5], $0x80, $0x38;
	[tilespmem:$0x18100] =	vst v63  }
0x1ef: {  	s19 =	simm.s32 $0x8E00;
	s20 =	sadd.s32 $0xFFFFF780, s10  }
0x1f0: {  	[hbm4b:s20+s4] =	stream.linear.scatter [tilespmem:s19], [sflag:$0x5], $0x80, $0x38;
	[tilespmem:$0x18100] =	vst v63  }
0x1f1: {  	s17 =	simm.s32 $0x8280;
	s18 =	sadd.s32 $0xFFFFF800, s10  }
0x1f2: {  	[hbm4b:s18+s4] =	stream.linear.scatter [tilespmem:s17], [sflag:$0x5], $0x80, $0x38;
	[tilespmem:$0x18100] =	vst v63  }
0x1f3: {  	s19 =	simm.s32 $0x8680;
	s20 =	sadd.s32 $0xFFFFF880, s10  }
0x1f4: {  	[hbm4b:s20+s4] =	stream.linear.scatter [tilespmem:s19], [sflag:$0x5], $0x80, $0x38;
	[tilespmem:$0x18100] =	vst v63  }
0x1f5: {  	s17 =	simm.s32 $0x8A80;
	s18 =	sadd.s32 $0xFFFFF900, s10  }
0x1f6: {  	[hbm4b:s18+s4] =	stream.linear.scatter [tilespmem:s17], [sflag:$0x5], $0x80, $0x38;
	[tilespmem:$0x18100] =	vst v63  }
0x1f7: {  	s19 =	simm.s32 $0x8E80;
	s20 =	sadd.s32 $0xFFFFF980, s10  }
0x1f8: {  	[hbm4b:s20+s4] =	stream.linear.scatter [tilespmem:s19], [sflag:$0x5], $0x80, $0x38;
	[tilespmem:$0x18100] =	vst v63  }
0x1f9: {  	s17 =	simm.s32 $0x8300;
	s18 =	sadd.s32 $0xFFFFFA00, s10  }
0x1fa: {  	[hbm4b:s18+s4] =	stream.linear.scatter [tilespmem:s17], [sflag:$0x5], $0x80, $0x38;
	[tilespmem:$0x18100] =	vst v63  }
0x1fb: {  	s19 =	simm.s32 $0x8700;
	s20 =	sadd.s32 $0xFFFFFA80, s10  }
0x1fc: {  	[hbm4b:s20+s4] =	stream.linear.scatter [tilespmem:s19], [sflag:$0x5], $0x80, $0x38;
	[tilespmem:$0x18100] =	vst v63  }
0x1fd: {  	s17 =	simm.s32 $0x8B00;
	s18 =	sadd.s32 $0xFFFFFB00, s10  }
0x1fe: {  	[hbm4b:s18+s4] =	stream.linear.scatter [tilespmem:s17], [sflag:$0x5], $0x80, $0x38;
	[tilespmem:$0x18100] =	vst v63  }
0x1ff: {  	s19 =	simm.s32 $0x8F00;
	s20 =	sadd.s32 $0xFFFFFB80, s10  }
0x200: {  	[hbm4b:s20+s4] =	stream.linear.scatter [tilespmem:s19], [sflag:$0x5], $0x80, $0x38;
	[tilespmem:$0x18100] =	vst v63  }
0x201: {  	s17 =	simm.s32 $0x8380;
	s18 =	sadd.s32 $0xFFFFFC00, s10  }
0x202: {  	[hbm4b:s18+s4] =	stream.linear.scatter [tilespmem:s17], [sflag:$0x5], $0x80, $0x38;
	[tilespmem:$0x18100] =	vst v63  }
0x203: {  	s19 =	simm.s32 $0x8780;
	s20 =	sadd.s32 $0xFFFFFC80, s10  }
0x204: {  	[hbm4b:s20+s4] =	stream.linear.scatter [tilespmem:s19], [sflag:$0x5], $0x80, $0x38;
	[tilespmem:$0x18100] =	vst v63  }
0x205: {  	s17 =	simm.s32 $0x8B80;
	s18 =	sadd.s32 $0xFFFFFD00, s10  }
0x206: {  	[hbm4b:s18+s4] =	stream.linear.scatter [tilespmem:s17], [sflag:$0x5], $0x80, $0x38;
	[tilespmem:$0x18100] =	vst v63  }
0x207: {  	s19 =	simm.s32 $0x8F80;
	s20 =	sadd.s32 $0xFFFFFD80, s10  }
0x208: {  	[hbm4b:s20+s4] =	stream.linear.scatter [tilespmem:s19], [sflag:$0x5], $0x80, $0x38;
	[tilespmem:$0x18100] =	vst v63  }
0x209: {  	s17 =	simm.s32 $0x8400;
	s18 =	sadd.s32 $0xFFFFFE00, s10  }
0x20a: {  	[hbm4b:s18+s4] =	stream.linear.scatter [tilespmem:s17], [sflag:$0x5], $0x80, $0x38;
	[tilespmem:$0x18100] =	vst v63  }
0x20b: {  	s19 =	simm.s32 $0x8800;
	s20 =	sadd.s32 $0xFFFFFE80, s10  }
0x20c: {  	[hbm4b:s20+s4] =	stream.linear.scatter [tilespmem:s19], [sflag:$0x5], $0x80, $0x38;
	[tilespmem:$0x18100] =	vst v63  }
0x20d: {  	s17 =	simm.s32 $0x8C00;
	s18 =	sadd.s32 $0xFFFFFF00, s10  }
0x20e: {  	[hbm4b:s18+s4] =	stream.linear.scatter [tilespmem:s17], [sflag:$0x5], $0x80, $0x38;
	[tilespmem:$0x18100] =	vst v63  }
0x20f: {  	s19 =	simm.s32 $0x9000;
	s20 =	sadd.s32 $0xFFFFFF80, s10  }
0x210: {  	[hbm4b:s20+s4] =	stream.linear.scatter [tilespmem:s19], [sflag:$0x5], $0x80, $0x38;
	[tilespmem:$0x18100] =	vst v63  }
0x211: {  	s16 =	simm.s32 $0x8480  }
0x212: {  	[hbm4b:s10+s4] =	stream.linear.scatter [tilespmem:s16], [sflag:$0x5], $0x80, $0x38;
	[tilespmem:$0x18100] =	vst v63  }
0x213: {  	s17 =	simm.s32 $0x8880;
	s18 =	sadd.s32 $0x80, s10;
	s19 =	simm.s32 $0x8C80  }
0x214: {  	[hbm4b:s18+s4] =	stream.linear.scatter [tilespmem:s17], [sflag:$0x5], $0x80, $0x38;
	[tilespmem:$0x18100] =	vst v63  }
0x215: {  	s20 =	sadd.s32 $0x100, s10;
	s16 =	simm.s32 $0x0;
	s17 =	simm.s32 $0xA080  }
0x216: {  	[hbm4b:s20+s4] =	stream.linear.scatter [tilespmem:s19], [sflag:$0x5], $0x80, $0x38;
	[tilespmem:$0x18100] =	vst v63  }
0x217: {  	s18 =	sadd.s32 $0x1000, s10;
	s19 =	simm.s32 $0x9080;
	s20 =	sadd.s32 $0x180, s10  }
.LBB2_4:
0x218: {  	[hbm4b:s20+s4] =	stream.linear.scatter [tilespmem:s19], [sflag:$0x5], $0x80, $0x38;
	[tilespmem:$0x18100] =	vst v63  }
0x219: {  	s9 =	sadd.s32 $0xFFFFF080, s17;
	s19 =	sadd.s32 $0xFFFFF200, s18;
	s16 =	sadd.s32 $0x8, s16  }
0x21a: {  	[hbm4b:s19+s4] =	stream.linear.scatter [tilespmem:s9], [sflag:$0x5], $0x80, $0x38;
	[tilespmem:$0x18100] =	vst v63  }
0x21b: {  	p0 =	slt.u32 s16, $0x38;
	s9 =	sadd.s32 $0xFFFFF480, s17;
	s19 =	sadd.s32 $0xFFFFF280, s18  }
0x21c: {  	[hbm4b:s19+s4] =	stream.linear.scatter [tilespmem:s9], [sflag:$0x5], $0x80, $0x38;
	[tilespmem:$0x18100] =	vst v63  }
0x21d: {  	s20 =	sadd.s32 $0xFFFFF300, s18;
	s9 =	sadd.s32 $0xFFFFF880, s17;
	s19 =	smov.u32 s17  }
0x21e: {  	[hbm4b:s20+s4] =	stream.linear.scatter [tilespmem:s9], [sflag:$0x5], $0x80, $0x38;
	[tilespmem:$0x18100] =	vst v63  }
0x21f: {  	s9 =	sadd.s32 $0xFFFFFC80, s17;
	s20 =	sadd.s32 $0xFFFFF380, s18  }
0x220: {  	[hbm4b:s20+s4] =	stream.linear.scatter [tilespmem:s9], [sflag:$0x5], $0x80, $0x38;
	[tilespmem:$0x18100] =	vst v63  }
0x221: {  	s9 =	sadd.s32 $0xFFFFF100, s17;
	s20 =	sadd.s32 $0xFFFFF400, s18  }
0x222: {  	[hbm4b:s20+s4] =	stream.linear.scatter [tilespmem:s9], [sflag:$0x5], $0x80, $0x38;
	[tilespmem:$0x18100] =	vst v63  }
0x223: {  	s9 =	sadd.s32 $0xFFFFF500, s17;
	s20 =	sadd.s32 $0xFFFFF480, s18  }
0x224: {  	[hbm4b:s20+s4] =	stream.linear.scatter [tilespmem:s9], [sflag:$0x5], $0x80, $0x38;
	[tilespmem:$0x18100] =	vst v63  }
0x225: {  	s9 =	sadd.s32 $0xFFFFF900, s17;
	s20 =	sadd.s32 $0xFFFFF500, s18  }
0x226: {  	[hbm4b:s20+s4] =	stream.linear.scatter [tilespmem:s9], [sflag:$0x5], $0x80, $0x38;
	[tilespmem:$0x18100] =	vst v63  }
0x227: {  	s9 =	sadd.s32 $0xFFFFFD00, s17;
	s20 =	sadd.s32 $0xFFFFF580, s18  }
0x228: {  	[hbm4b:s20+s4] =	stream.linear.scatter [tilespmem:s9], [sflag:$0x5], $0x80, $0x38;
	[tilespmem:$0x18100] =	vst v63  }
0x229: {  	s9 =	sadd.s32 $0xFFFFF180, s17;
	s20 =	sadd.s32 $0xFFFFF600, s18  }
0x22a: {  	[hbm4b:s20+s4] =	stream.linear.scatter [tilespmem:s9], [sflag:$0x5], $0x80, $0x38;
	[tilespmem:$0x18100] =	vst v63  }
0x22b: {  	s9 =	sadd.s32 $0xFFFFF580, s17;
	s20 =	sadd.s32 $0xFFFFF680, s18  }
0x22c: {  	[hbm4b:s20+s4] =	stream.linear.scatter [tilespmem:s9], [sflag:$0x5], $0x80, $0x38;
	[tilespmem:$0x18100] =	vst v63  }
0x22d: {  	s9 =	sadd.s32 $0xFFFFF980, s17;
	s20 =	sadd.s32 $0xFFFFF700, s18  }
0x22e: {  	[hbm4b:s20+s4] =	stream.linear.scatter [tilespmem:s9], [sflag:$0x5], $0x80, $0x38;
	[tilespmem:$0x18100] =	vst v63  }
0x22f: {  	s9 =	sadd.s32 $0xFFFFFD80, s17;
	s20 =	sadd.s32 $0xFFFFF780, s18  }
0x230: {  	[hbm4b:s20+s4] =	stream.linear.scatter [tilespmem:s9], [sflag:$0x5], $0x80, $0x38;
	[tilespmem:$0x18100] =	vst v63  }
0x231: {  	s9 =	sadd.s32 $0xFFFFF200, s17;
	s20 =	sadd.s32 $0xFFFFF800, s18  }
0x232: {  	[hbm4b:s20+s4] =	stream.linear.scatter [tilespmem:s9], [sflag:$0x5], $0x80, $0x38;
	[tilespmem:$0x18100] =	vst v63  }
0x233: {  	s9 =	sadd.s32 $0xFFFFF600, s17;
	s20 =	sadd.s32 $0xFFFFF880, s18  }
0x234: {  	[hbm4b:s20+s4] =	stream.linear.scatter [tilespmem:s9], [sflag:$0x5], $0x80, $0x38;
	[tilespmem:$0x18100] =	vst v63  }
0x235: {  	s9 =	sadd.s32 $0xFFFFFA00, s17;
	s20 =	sadd.s32 $0xFFFFF900, s18  }
0x236: {  	[hbm4b:s20+s4] =	stream.linear.scatter [tilespmem:s9], [sflag:$0x5], $0x80, $0x38;
	[tilespmem:$0x18100] =	vst v63  }
0x237: {  	s9 =	sadd.s32 $0xFFFFFE00, s17;
	s20 =	sadd.s32 $0xFFFFF980, s18  }
0x238: {  	[hbm4b:s20+s4] =	stream.linear.scatter [tilespmem:s9], [sflag:$0x5], $0x80, $0x38;
	[tilespmem:$0x18100] =	vst v63  }
0x239: {  	s9 =	sadd.s32 $0xFFFFF280, s17;
	s20 =	sadd.s32 $0xFFFFFA00, s18  }
0x23a: {  	[hbm4b:s20+s4] =	stream.linear.scatter [tilespmem:s9], [sflag:$0x5], $0x80, $0x38;
	[tilespmem:$0x18100] =	vst v63  }
0x23b: {  	s9 =	sadd.s32 $0xFFFFF680, s17;
	s20 =	sadd.s32 $0xFFFFFA80, s18  }
0x23c: {  	[hbm4b:s20+s4] =	stream.linear.scatter [tilespmem:s9], [sflag:$0x5], $0x80, $0x38;
	[tilespmem:$0x18100] =	vst v63  }
0x23d: {  	s9 =	sadd.s32 $0xFFFFFA80, s17;
	s20 =	sadd.s32 $0xFFFFFB00, s18  }
0x23e: {  	[hbm4b:s20+s4] =	stream.linear.scatter [tilespmem:s9], [sflag:$0x5], $0x80, $0x38;
	[tilespmem:$0x18100] =	vst v63  }
0x23f: {  	s9 =	sadd.s32 $0xFFFFFE80, s17;
	s20 =	sadd.s32 $0xFFFFFB80, s18  }
0x240: {  	[hbm4b:s20+s4] =	stream.linear.scatter [tilespmem:s9], [sflag:$0x5], $0x80, $0x38;
	[tilespmem:$0x18100] =	vst v63  }
0x241: {  	s9 =	sadd.s32 $0xFFFFF300, s17;
	s20 =	sadd.s32 $0xFFFFFC00, s18  }
0x242: {  	[hbm4b:s20+s4] =	stream.linear.scatter [tilespmem:s9], [sflag:$0x5], $0x80, $0x38;
	[tilespmem:$0x18100] =	vst v63  }
0x243: {  	s9 =	sadd.s32 $0xFFFFF700, s17;
	s20 =	sadd.s32 $0xFFFFFC80, s18  }
0x244: {  	[hbm4b:s20+s4] =	stream.linear.scatter [tilespmem:s9], [sflag:$0x5], $0x80, $0x38;
	[tilespmem:$0x18100] =	vst v63  }
0x245: {  	s9 =	sadd.s32 $0xFFFFFB00, s17;
	s20 =	sadd.s32 $0xFFFFFD00, s18  }
0x246: {  	[hbm4b:s20+s4] =	stream.linear.scatter [tilespmem:s9], [sflag:$0x5], $0x80, $0x38;
	[tilespmem:$0x18100] =	vst v63  }
0x247: {  	s9 =	sadd.s32 $0xFFFFFF00, s17;
	s20 =	sadd.s32 $0xFFFFFD80, s18  }
0x248: {  	[hbm4b:s20+s4] =	stream.linear.scatter [tilespmem:s9], [sflag:$0x5], $0x80, $0x38;
	[tilespmem:$0x18100] =	vst v63  }
0x249: {  	s9 =	sadd.s32 $0xFFFFF380, s17;
	s20 =	sadd.s32 $0xFFFFFE00, s18  }
0x24a: {  	[hbm4b:s20+s4] =	stream.linear.scatter [tilespmem:s9], [sflag:$0x5], $0x80, $0x38;
	[tilespmem:$0x18100] =	vst v63  }
0x24b: {  	s9 =	sadd.s32 $0xFFFFF780, s17;
	s20 =	sadd.s32 $0xFFFFFE80, s18  }
0x24c: {  	[hbm4b:s20+s4] =	stream.linear.scatter [tilespmem:s9], [sflag:$0x5], $0x80, $0x38;
	[tilespmem:$0x18100] =	vst v63  }
0x24d: {  	s9 =	sadd.s32 $0xFFFFFB80, s17;
	s20 =	sadd.s32 $0xFFFFFF00, s18  }
0x24e: {  	[hbm4b:s20+s4] =	stream.linear.scatter [tilespmem:s9], [sflag:$0x5], $0x80, $0x38;
	[tilespmem:$0x18100] =	vst v63  }
0x24f: {  	s9 =	sadd.s32 $0xFFFFFF80, s17;
	s20 =	sadd.s32 $0xFFFFFF80, s18  }
0x250: {  	[hbm4b:s20+s4] =	stream.linear.scatter [tilespmem:s9], [sflag:$0x5], $0x80, $0x38;
	[tilespmem:$0x18100] =	vst v63  }
0x251: {  	s9 =	sadd.s32 $0xFFFFF400, s17  }
0x252: {  	[hbm4b:s18+s4] =	stream.linear.scatter [tilespmem:s9], [sflag:$0x5], $0x80, $0x38;
	[tilespmem:$0x18100] =	vst v63  }
.Ltmp1:
0x253: {  	s20 =	sadd.s32 $0x80, s18;
	s9 =	sadd.s32 $0xFFFFF800, s17;
	(pc) =	sbr.rel @p0 .LBB2_4-.Ltmp1, $4  }
0x254: {  	[hbm4b:s20+s4] =	stream.linear.scatter [tilespmem:s9], [sflag:$0x5], $0x80, $0x38;
	[tilespmem:$0x18100] =	vst v63  }
0x255: {  	s9 =	sadd.s32 $0xFFFFFC00, s17;
	s20 =	sadd.s32 $0x100, s18  }
0x256: {  	[hbm4b:s20+s4] =	stream.linear.scatter [tilespmem:s9], [sflag:$0x5], $0x80, $0x38;
	[tilespmem:$0x18100] =	vst v63  }
0x257: {  	s17 =	sadd.s32 $0x1000, s17;
	s20 =	sadd.s32 $0x180, s18;
	s18 =	sadd.s32 $0x1000, s18  }
0x258: {  	[hbm4b:s20+s4] =	stream.linear.scatter [tilespmem:s19], [sflag:$0x5], $0x80, $0x38;
	[tilespmem:$0x18100] =	vst v63  }
0x259: {  	_ =	swait.ge [sflag:s2], $0x8000  }
0x25a: {  	[sflag:s2] =	ssyncset.done $0x0  }
0x25b: {  	s9 =	simm.s32 $0x10100;
	s16 =	sadd.s32 $0xFFFFF200, s11;
	[sflag:s2] =	ssyncadd.s32 $0xFFFF8000  }
0x25c: {  	[hbm4b:s16+s4] =	stream.linear.scatter [tilespmem:s9], [sflag:$0x6], $0x80, $0x38;
	[tilespmem:$0x18100] =	vst v63  }
0x25d: {  	s19 =	simm.s32 $0x10500;
	s20 =	sadd.s32 $0xFFFFF280, s11  }
0x25e: {  	[hbm4b:s20+s4] =	stream.linear.scatter [tilespmem:s19], [sflag:$0x6], $0x80, $0x38;
	[tilespmem:$0x18100] =	vst v63  }
0x25f: {  	s17 =	simm.s32 $0x10900;
	s18 =	sadd.s32 $0xFFFFF300, s11  }
0x260: {  	[hbm4b:s18+s4] =	stream.linear.scatter [tilespmem:s17], [sflag:$0x6], $0x80, $0x38;
	[tilespmem:$0x18100] =	vst v63  }
0x261: {  	s19 =	simm.s32 $0x10D00;
	s20 =	sadd.s32 $0xFFFFF380, s11  }
0x262: {  	[hbm4b:s20+s4] =	stream.linear.scatter [tilespmem:s19], [sflag:$0x6], $0x80, $0x38;
	[tilespmem:$0x18100] =	vst v63  }
0x263: {  	s17 =	simm.s32 $0x10180;
	s18 =	sadd.s32 $0xFFFFF400, s11  }
0x264: {  	[hbm4b:s18+s4] =	stream.linear.scatter [tilespmem:s17], [sflag:$0x6], $0x80, $0x38;
	[tilespmem:$0x18100] =	vst v63  }
0x265: {  	s19 =	simm.s32 $0x10580;
	s20 =	sadd.s32 $0xFFFFF480, s11  }
0x266: {  	[hbm4b:s20+s4] =	stream.linear.scatter [tilespmem:s19], [sflag:$0x6], $0x80, $0x38;
	[tilespmem:$0x18100] =	vst v63  }
0x267: {  	s17 =	simm.s32 $0x10980;
	s18 =	sadd.s32 $0xFFFFF500, s11  }
0x268: {  	[hbm4b:s18+s4] =	stream.linear.scatter [tilespmem:s17], [sflag:$0x6], $0x80, $0x38;
	[tilespmem:$0x18100] =	vst v63  }
0x269: {  	s19 =	simm.s32 $0x10D80;
	s20 =	sadd.s32 $0xFFFFF580, s11  }
0x26a: {  	[hbm4b:s20+s4] =	stream.linear.scatter [tilespmem:s19], [sflag:$0x6], $0x80, $0x38;
	[tilespmem:$0x18100] =	vst v63  }
0x26b: {  	s17 =	simm.s32 $0x10200;
	s18 =	sadd.s32 $0xFFFFF600, s11  }
0x26c: {  	[hbm4b:s18+s4] =	stream.linear.scatter [tilespmem:s17], [sflag:$0x6], $0x80, $0x38;
	[tilespmem:$0x18100] =	vst v63  }
0x26d: {  	s19 =	simm.s32 $0x10600;
	s20 =	sadd.s32 $0xFFFFF680, s11  }
0x26e: {  	[hbm4b:s20+s4] =	stream.linear.scatter [tilespmem:s19], [sflag:$0x6], $0x80, $0x38;
	[tilespmem:$0x18100] =	vst v63  }
0x26f: {  	s17 =	simm.s32 $0x10A00;
	s18 =	sadd.s32 $0xFFFFF700, s11  }
0x270: {  	[hbm4b:s18+s4] =	stream.linear.scatter [tilespmem:s17], [sflag:$0x6], $0x80, $0x38;
	[tilespmem:$0x18100] =	vst v63  }
0x271: {  	s19 =	simm.s32 $0x10E00;
	s20 =	sadd.s32 $0xFFFFF780, s11  }
0x272: {  	[hbm4b:s20+s4] =	stream.linear.scatter [tilespmem:s19], [sflag:$0x6], $0x80, $0x38;
	[tilespmem:$0x18100] =	vst v63  }
0x273: {  	s17 =	simm.s32 $0x10280;
	s18 =	sadd.s32 $0xFFFFF800, s11  }
0x274: {  	[hbm4b:s18+s4] =	stream.linear.scatter [tilespmem:s17], [sflag:$0x6], $0x80, $0x38;
	[tilespmem:$0x18100] =	vst v63  }
0x275: {  	s19 =	simm.s32 $0x10680;
	s20 =	sadd.s32 $0xFFFFF880, s11  }
0x276: {  	[hbm4b:s20+s4] =	stream.linear.scatter [tilespmem:s19], [sflag:$0x6], $0x80, $0x38;
	[tilespmem:$0x18100] =	vst v63  }
0x277: {  	s17 =	simm.s32 $0x10A80;
	s18 =	sadd.s32 $0xFFFFF900, s11  }
0x278: {  	[hbm4b:s18+s4] =	stream.linear.scatter [tilespmem:s17], [sflag:$0x6], $0x80, $0x38;
	[tilespmem:$0x18100] =	vst v63  }
0x279: {  	s19 =	simm.s32 $0x10E80;
	s20 =	sadd.s32 $0xFFFFF980, s11  }
0x27a: {  	[hbm4b:s20+s4] =	stream.linear.scatter [tilespmem:s19], [sflag:$0x6], $0x80, $0x38;
	[tilespmem:$0x18100] =	vst v63  }
0x27b: {  	s17 =	simm.s32 $0x10300;
	s18 =	sadd.s32 $0xFFFFFA00, s11  }
0x27c: {  	[hbm4b:s18+s4] =	stream.linear.scatter [tilespmem:s17], [sflag:$0x6], $0x80, $0x38;
	[tilespmem:$0x18100] =	vst v63  }
0x27d: {  	s19 =	simm.s32 $0x10700;
	s20 =	sadd.s32 $0xFFFFFA80, s11  }
0x27e: {  	[hbm4b:s20+s4] =	stream.linear.scatter [tilespmem:s19], [sflag:$0x6], $0x80, $0x38;
	[tilespmem:$0x18100] =	vst v63  }
0x27f: {  	s17 =	simm.s32 $0x10B00;
	s18 =	sadd.s32 $0xFFFFFB00, s11  }
0x280: {  	[hbm4b:s18+s4] =	stream.linear.scatter [tilespmem:s17], [sflag:$0x6], $0x80, $0x38;
	[tilespmem:$0x18100] =	vst v63  }
0x281: {  	s19 =	simm.s32 $0x10F00;
	s20 =	sadd.s32 $0xFFFFFB80, s11  }
0x282: {  	[hbm4b:s20+s4] =	stream.linear.scatter [tilespmem:s19], [sflag:$0x6], $0x80, $0x38;
	[tilespmem:$0x18100] =	vst v63  }
0x283: {  	s17 =	simm.s32 $0x10380;
	s18 =	sadd.s32 $0xFFFFFC00, s11  }
0x284: {  	[hbm4b:s18+s4] =	stream.linear.scatter [tilespmem:s17], [sflag:$0x6], $0x80, $0x38;
	[tilespmem:$0x18100] =	vst v63  }
0x285: {  	s19 =	simm.s32 $0x10780;
	s20 =	sadd.s32 $0xFFFFFC80, s11  }
0x286: {  	[hbm4b:s20+s4] =	stream.linear.scatter [tilespmem:s19], [sflag:$0x6], $0x80, $0x38;
	[tilespmem:$0x18100] =	vst v63  }
0x287: {  	s17 =	simm.s32 $0x10B80;
	s18 =	sadd.s32 $0xFFFFFD00, s11  }
0x288: {  	[hbm4b:s18+s4] =	stream.linear.scatter [tilespmem:s17], [sflag:$0x6], $0x80, $0x38;
	[tilespmem:$0x18100] =	vst v63  }
0x289: {  	s19 =	simm.s32 $0x10F80;
	s20 =	sadd.s32 $0xFFFFFD80, s11  }
0x28a: {  	[hbm4b:s20+s4] =	stream.linear.scatter [tilespmem:s19], [sflag:$0x6], $0x80, $0x38;
	[tilespmem:$0x18100] =	vst v63  }
0x28b: {  	s17 =	simm.s32 $0x10400;
	s18 =	sadd.s32 $0xFFFFFE00, s11  }
0x28c: {  	[hbm4b:s18+s4] =	stream.linear.scatter [tilespmem:s17], [sflag:$0x6], $0x80, $0x38;
	[tilespmem:$0x18100] =	vst v63  }
0x28d: {  	s19 =	simm.s32 $0x10800;
	s20 =	sadd.s32 $0xFFFFFE80, s11  }
0x28e: {  	[hbm4b:s20+s4] =	stream.linear.scatter [tilespmem:s19], [sflag:$0x6], $0x80, $0x38;
	[tilespmem:$0x18100] =	vst v63  }
0x28f: {  	s17 =	simm.s32 $0x10C00;
	s18 =	sadd.s32 $0xFFFFFF00, s11  }
0x290: {  	[hbm4b:s18+s4] =	stream.linear.scatter [tilespmem:s17], [sflag:$0x6], $0x80, $0x38;
	[tilespmem:$0x18100] =	vst v63  }
0x291: {  	s19 =	simm.s32 $0x11000;
	s20 =	sadd.s32 $0xFFFFFF80, s11  }
0x292: {  	[hbm4b:s20+s4] =	stream.linear.scatter [tilespmem:s19], [sflag:$0x6], $0x80, $0x38;
	[tilespmem:$0x18100] =	vst v63  }
0x293: {  	s16 =	simm.s32 $0x10480  }
0x294: {  	[hbm4b:s11+s4] =	stream.linear.scatter [tilespmem:s16], [sflag:$0x6], $0x80, $0x38;
	[tilespmem:$0x18100] =	vst v63  }
0x295: {  	s17 =	simm.s32 $0x10880;
	s18 =	sadd.s32 $0x80, s11;
	s19 =	simm.s32 $0x10C80  }
0x296: {  	[hbm4b:s18+s4] =	stream.linear.scatter [tilespmem:s17], [sflag:$0x6], $0x80, $0x38;
	[tilespmem:$0x18100] =	vst v63  }
0x297: {  	s20 =	sadd.s32 $0x100, s11;
	s16 =	simm.s32 $0x0;
	s17 =	simm.s32 $0x12080  }
0x298: {  	[hbm4b:s20+s4] =	stream.linear.scatter [tilespmem:s19], [sflag:$0x6], $0x80, $0x38;
	[tilespmem:$0x18100] =	vst v63  }
0x299: {  	s18 =	sadd.s32 $0x1000, s11;
	s19 =	simm.s32 $0x11080;
	s20 =	sadd.s32 $0x180, s11  }
.LBB2_6:
0x29a: {  	[hbm4b:s20+s4] =	stream.linear.scatter [tilespmem:s19], [sflag:$0x6], $0x80, $0x38;
	[tilespmem:$0x18100] =	vst v63  }
0x29b: {  	s9 =	sadd.s32 $0xFFFFF080, s17;
	s19 =	sadd.s32 $0xFFFFF200, s18;
	s16 =	sadd.s32 $0x8, s16  }
0x29c: {  	[hbm4b:s19+s4] =	stream.linear.scatter [tilespmem:s9], [sflag:$0x6], $0x80, $0x38;
	[tilespmem:$0x18100] =	vst v63  }
0x29d: {  	p0 =	slt.u32 s16, $0x38;
	s9 =	sadd.s32 $0xFFFFF480, s17;
	s19 =	sadd.s32 $0xFFFFF280, s18  }
0x29e: {  	[hbm4b:s19+s4] =	stream.linear.scatter [tilespmem:s9], [sflag:$0x6], $0x80, $0x38;
	[tilespmem:$0x18100] =	vst v63  }
0x29f: {  	s20 =	sadd.s32 $0xFFFFF300, s18;
	s9 =	sadd.s32 $0xFFFFF880, s17;
	s19 =	smov.u32 s17  }
0x2a0: {  	[hbm4b:s20+s4] =	stream.linear.scatter [tilespmem:s9], [sflag:$0x6], $0x80, $0x38;
	[tilespmem:$0x18100] =	vst v63  }
0x2a1: {  	s9 =	sadd.s32 $0xFFFFFC80, s17;
	s20 =	sadd.s32 $0xFFFFF380, s18  }
0x2a2: {  	[hbm4b:s20+s4] =	stream.linear.scatter [tilespmem:s9], [sflag:$0x6], $0x80, $0x38;
	[tilespmem:$0x18100] =	vst v63  }
0x2a3: {  	s9 =	sadd.s32 $0xFFFFF100, s17;
	s20 =	sadd.s32 $0xFFFFF400, s18  }
0x2a4: {  	[hbm4b:s20+s4] =	stream.linear.scatter [tilespmem:s9], [sflag:$0x6], $0x80, $0x38;
	[tilespmem:$0x18100] =	vst v63  }
0x2a5: {  	s9 =	sadd.s32 $0xFFFFF500, s17;
	s20 =	sadd.s32 $0xFFFFF480, s18  }
0x2a6: {  	[hbm4b:s20+s4] =	stream.linear.scatter [tilespmem:s9], [sflag:$0x6], $0x80, $0x38;
	[tilespmem:$0x18100] =	vst v63  }
0x2a7: {  	s9 =	sadd.s32 $0xFFFFF900, s17;
	s20 =	sadd.s32 $0xFFFFF500, s18  }
0x2a8: {  	[hbm4b:s20+s4] =	stream.linear.scatter [tilespmem:s9], [sflag:$0x6], $0x80, $0x38;
	[tilespmem:$0x18100] =	vst v63  }
0x2a9: {  	s9 =	sadd.s32 $0xFFFFFD00, s17;
	s20 =	sadd.s32 $0xFFFFF580, s18  }
0x2aa: {  	[hbm4b:s20+s4] =	stream.linear.scatter [tilespmem:s9], [sflag:$0x6], $0x80, $0x38;
	[tilespmem:$0x18100] =	vst v63  }
0x2ab: {  	s9 =	sadd.s32 $0xFFFFF180, s17;
	s20 =	sadd.s32 $0xFFFFF600, s18  }
0x2ac: {  	[hbm4b:s20+s4] =	stream.linear.scatter [tilespmem:s9], [sflag:$0x6], $0x80, $0x38;
	[tilespmem:$0x18100] =	vst v63  }
0x2ad: {  	s9 =	sadd.s32 $0xFFFFF580, s17;
	s20 =	sadd.s32 $0xFFFFF680, s18  }
0x2ae: {  	[hbm4b:s20+s4] =	stream.linear.scatter [tilespmem:s9], [sflag:$0x6], $0x80, $0x38;
	[tilespmem:$0x18100] =	vst v63  }
0x2af: {  	s9 =	sadd.s32 $0xFFFFF980, s17;
	s20 =	sadd.s32 $0xFFFFF700, s18  }
0x2b0: {  	[hbm4b:s20+s4] =	stream.linear.scatter [tilespmem:s9], [sflag:$0x6], $0x80, $0x38;
	[tilespmem:$0x18100] =	vst v63  }
0x2b1: {  	s9 =	sadd.s32 $0xFFFFFD80, s17;
	s20 =	sadd.s32 $0xFFFFF780, s18  }
0x2b2: {  	[hbm4b:s20+s4] =	stream.linear.scatter [tilespmem:s9], [sflag:$0x6], $0x80, $0x38;
	[tilespmem:$0x18100] =	vst v63  }
0x2b3: {  	s9 =	sadd.s32 $0xFFFFF200, s17;
	s20 =	sadd.s32 $0xFFFFF800, s18  }
0x2b4: {  	[hbm4b:s20+s4] =	stream.linear.scatter [tilespmem:s9], [sflag:$0x6], $0x80, $0x38;
	[tilespmem:$0x18100] =	vst v63  }
0x2b5: {  	s9 =	sadd.s32 $0xFFFFF600, s17;
	s20 =	sadd.s32 $0xFFFFF880, s18  }
0x2b6: {  	[hbm4b:s20+s4] =	stream.linear.scatter [tilespmem:s9], [sflag:$0x6], $0x80, $0x38;
	[tilespmem:$0x18100] =	vst v63  }
0x2b7: {  	s9 =	sadd.s32 $0xFFFFFA00, s17;
	s20 =	sadd.s32 $0xFFFFF900, s18  }
0x2b8: {  	[hbm4b:s20+s4] =	stream.linear.scatter [tilespmem:s9], [sflag:$0x6], $0x80, $0x38;
	[tilespmem:$0x18100] =	vst v63  }
0x2b9: {  	s9 =	sadd.s32 $0xFFFFFE00, s17;
	s20 =	sadd.s32 $0xFFFFF980, s18  }
0x2ba: {  	[hbm4b:s20+s4] =	stream.linear.scatter [tilespmem:s9], [sflag:$0x6], $0x80, $0x38;
	[tilespmem:$0x18100] =	vst v63  }
0x2bb: {  	s9 =	sadd.s32 $0xFFFFF280, s17;
	s20 =	sadd.s32 $0xFFFFFA00, s18  }
0x2bc: {  	[hbm4b:s20+s4] =	stream.linear.scatter [tilespmem:s9], [sflag:$0x6], $0x80, $0x38;
	[tilespmem:$0x18100] =	vst v63  }
0x2bd: {  	s9 =	sadd.s32 $0xFFFFF680, s17;
	s20 =	sadd.s32 $0xFFFFFA80, s18  }
0x2be: {  	[hbm4b:s20+s4] =	stream.linear.scatter [tilespmem:s9], [sflag:$0x6], $0x80, $0x38;
	[tilespmem:$0x18100] =	vst v63  }
0x2bf: {  	s9 =	sadd.s32 $0xFFFFFA80, s17;
	s20 =	sadd.s32 $0xFFFFFB00, s18  }
0x2c0: {  	[hbm4b:s20+s4] =	stream.linear.scatter [tilespmem:s9], [sflag:$0x6], $0x80, $0x38;
	[tilespmem:$0x18100] =	vst v63  }
0x2c1: {  	s9 =	sadd.s32 $0xFFFFFE80, s17;
	s20 =	sadd.s32 $0xFFFFFB80, s18  }
0x2c2: {  	[hbm4b:s20+s4] =	stream.linear.scatter [tilespmem:s9], [sflag:$0x6], $0x80, $0x38;
	[tilespmem:$0x18100] =	vst v63  }
0x2c3: {  	s9 =	sadd.s32 $0xFFFFF300, s17;
	s20 =	sadd.s32 $0xFFFFFC00, s18  }
0x2c4: {  	[hbm4b:s20+s4] =	stream.linear.scatter [tilespmem:s9], [sflag:$0x6], $0x80, $0x38;
	[tilespmem:$0x18100] =	vst v63  }
0x2c5: {  	s9 =	sadd.s32 $0xFFFFF700, s17;
	s20 =	sadd.s32 $0xFFFFFC80, s18  }
0x2c6: {  	[hbm4b:s20+s4] =	stream.linear.scatter [tilespmem:s9], [sflag:$0x6], $0x80, $0x38;
	[tilespmem:$0x18100] =	vst v63  }
0x2c7: {  	s9 =	sadd.s32 $0xFFFFFB00, s17;
	s20 =	sadd.s32 $0xFFFFFD00, s18  }
0x2c8: {  	[hbm4b:s20+s4] =	stream.linear.scatter [tilespmem:s9], [sflag:$0x6], $0x80, $0x38;
	[tilespmem:$0x18100] =	vst v63  }
0x2c9: {  	s9 =	sadd.s32 $0xFFFFFF00, s17;
	s20 =	sadd.s32 $0xFFFFFD80, s18  }
0x2ca: {  	[hbm4b:s20+s4] =	stream.linear.scatter [tilespmem:s9], [sflag:$0x6], $0x80, $0x38;
	[tilespmem:$0x18100] =	vst v63  }
0x2cb: {  	s9 =	sadd.s32 $0xFFFFF380, s17;
	s20 =	sadd.s32 $0xFFFFFE00, s18  }
0x2cc: {  	[hbm4b:s20+s4] =	stream.linear.scatter [tilespmem:s9], [sflag:$0x6], $0x80, $0x38;
	[tilespmem:$0x18100] =	vst v63  }
0x2cd: {  	s9 =	sadd.s32 $0xFFFFF780, s17;
	s20 =	sadd.s32 $0xFFFFFE80, s18  }
0x2ce: {  	[hbm4b:s20+s4] =	stream.linear.scatter [tilespmem:s9], [sflag:$0x6], $0x80, $0x38;
	[tilespmem:$0x18100] =	vst v63  }
0x2cf: {  	s9 =	sadd.s32 $0xFFFFFB80, s17;
	s20 =	sadd.s32 $0xFFFFFF00, s18  }
0x2d0: {  	[hbm4b:s20+s4] =	stream.linear.scatter [tilespmem:s9], [sflag:$0x6], $0x80, $0x38;
	[tilespmem:$0x18100] =	vst v63  }
0x2d1: {  	s9 =	sadd.s32 $0xFFFFFF80, s17;
	s20 =	sadd.s32 $0xFFFFFF80, s18  }
0x2d2: {  	[hbm4b:s20+s4] =	stream.linear.scatter [tilespmem:s9], [sflag:$0x6], $0x80, $0x38;
	[tilespmem:$0x18100] =	vst v63  }
0x2d3: {  	s9 =	sadd.s32 $0xFFFFF400, s17  }
0x2d4: {  	[hbm4b:s18+s4] =	stream.linear.scatter [tilespmem:s9], [sflag:$0x6], $0x80, $0x38;
	[tilespmem:$0x18100] =	vst v63  }
.Ltmp2:
0x2d5: {  	s20 =	sadd.s32 $0x80, s18;
	s9 =	sadd.s32 $0xFFFFF800, s17;
	(pc) =	sbr.rel @p0 .LBB2_6-.Ltmp2, $4  }
0x2d6: {  	[hbm4b:s20+s4] =	stream.linear.scatter [tilespmem:s9], [sflag:$0x6], $0x80, $0x38;
	[tilespmem:$0x18100] =	vst v63  }
0x2d7: {  	s9 =	sadd.s32 $0xFFFFFC00, s17;
	s20 =	sadd.s32 $0x100, s18  }
0x2d8: {  	[hbm4b:s20+s4] =	stream.linear.scatter [tilespmem:s9], [sflag:$0x6], $0x80, $0x38;
	[tilespmem:$0x18100] =	vst v63  }
0x2d9: {  	s17 =	sadd.s32 $0x1000, s17;
	s20 =	sadd.s32 $0x180, s18;
	s18 =	sadd.s32 $0x1000, s18  }
0x2da: {  	[hbm4b:s20+s4] =	stream.linear.scatter [tilespmem:s19], [sflag:$0x6], $0x80, $0x38;
	[tilespmem:$0x18100] =	vst v63  }
0x2db: {  	_ =	swait.ge [sflag:s5], $0x8000  }
0x2dc: {  	[sflag:s5] =	ssyncset.done $0x0  }
0x2dd: {  	s9 =	simm.s32 $0x100;
	s16 =	sadd.s32 $0xFFFFF200, s12;
	[sflag:s5] =	ssyncadd.s32 $0xFFFF8000  }
0x2de: {  	[hbm4b:s16+s4] =	stream.linear.scatter [tilespmem:s9], [sflag:$0x4], $0x80, $0x38;
	[tilespmem:$0x18100] =	vst v63  }
0x2df: {  	s19 =	simm.s32 $0x500;
	s20 =	sadd.s32 $0xFFFFF280, s12  }
0x2e0: {  	[hbm4b:s20+s4] =	stream.linear.scatter [tilespmem:s19], [sflag:$0x4], $0x80, $0x38;
	[tilespmem:$0x18100] =	vst v63  }
0x2e1: {  	s17 =	simm.s32 $0x900;
	s18 =	sadd.s32 $0xFFFFF300, s12  }
0x2e2: {  	[hbm4b:s18+s4] =	stream.linear.scatter [tilespmem:s17], [sflag:$0x4], $0x80, $0x38;
	[tilespmem:$0x18100] =	vst v63  }
0x2e3: {  	s19 =	simm.s32 $0xD00;
	s20 =	sadd.s32 $0xFFFFF380, s12  }
0x2e4: {  	[hbm4b:s20+s4] =	stream.linear.scatter [tilespmem:s19], [sflag:$0x4], $0x80, $0x38;
	[tilespmem:$0x18100] =	vst v63  }
0x2e5: {  	s17 =	simm.s32 $0x180;
	s18 =	sadd.s32 $0xFFFFF400, s12  }
0x2e6: {  	[hbm4b:s18+s4] =	stream.linear.scatter [tilespmem:s17], [sflag:$0x4], $0x80, $0x38;
	[tilespmem:$0x18100] =	vst v63  }
0x2e7: {  	s19 =	simm.s32 $0x580;
	s20 =	sadd.s32 $0xFFFFF480, s12  }
0x2e8: {  	[hbm4b:s20+s4] =	stream.linear.scatter [tilespmem:s19], [sflag:$0x4], $0x80, $0x38;
	[tilespmem:$0x18100] =	vst v63  }
0x2e9: {  	s17 =	simm.s32 $0x980;
	s18 =	sadd.s32 $0xFFFFF500, s12  }
0x2ea: {  	[hbm4b:s18+s4] =	stream.linear.scatter [tilespmem:s17], [sflag:$0x4], $0x80, $0x38;
	[tilespmem:$0x18100] =	vst v63  }
0x2eb: {  	s19 =	simm.s32 $0xD80;
	s20 =	sadd.s32 $0xFFFFF580, s12  }
0x2ec: {  	[hbm4b:s20+s4] =	stream.linear.scatter [tilespmem:s19], [sflag:$0x4], $0x80, $0x38;
	[tilespmem:$0x18100] =	vst v63  }
0x2ed: {  	s17 =	simm.s32 $0x200;
	s18 =	sadd.s32 $0xFFFFF600, s12  }
0x2ee: {  	[hbm4b:s18+s4] =	stream.linear.scatter [tilespmem:s17], [sflag:$0x4], $0x80, $0x38;
	[tilespmem:$0x18100] =	vst v63  }
0x2ef: {  	s19 =	simm.s32 $0x600;
	s20 =	sadd.s32 $0xFFFFF680, s12  }
0x2f0: {  	[hbm4b:s20+s4] =	stream.linear.scatter [tilespmem:s19], [sflag:$0x4], $0x80, $0x38;
	[tilespmem:$0x18100] =	vst v63  }
0x2f1: {  	s17 =	simm.s32 $0xA00;
	s18 =	sadd.s32 $0xFFFFF700, s12  }
0x2f2: {  	[hbm4b:s18+s4] =	stream.linear.scatter [tilespmem:s17], [sflag:$0x4], $0x80, $0x38;
	[tilespmem:$0x18100] =	vst v63  }
0x2f3: {  	s19 =	simm.s32 $0xE00;
	s20 =	sadd.s32 $0xFFFFF780, s12  }
0x2f4: {  	[hbm4b:s20+s4] =	stream.linear.scatter [tilespmem:s19], [sflag:$0x4], $0x80, $0x38;
	[tilespmem:$0x18100] =	vst v63  }
0x2f5: {  	s17 =	simm.s32 $0x280;
	s18 =	sadd.s32 $0xFFFFF800, s12  }
0x2f6: {  	[hbm4b:s18+s4] =	stream.linear.scatter [tilespmem:s17], [sflag:$0x4], $0x80, $0x38;
	[tilespmem:$0x18100] =	vst v63  }
0x2f7: {  	s19 =	simm.s32 $0x680;
	s20 =	sadd.s32 $0xFFFFF880, s12  }
0x2f8: {  	[hbm4b:s20+s4] =	stream.linear.scatter [tilespmem:s19], [sflag:$0x4], $0x80, $0x38;
	[tilespmem:$0x18100] =	vst v63  }
0x2f9: {  	s17 =	simm.s32 $0xA80;
	s18 =	sadd.s32 $0xFFFFF900, s12  }
0x2fa: {  	[hbm4b:s18+s4] =	stream.linear.scatter [tilespmem:s17], [sflag:$0x4], $0x80, $0x38;
	[tilespmem:$0x18100] =	vst v63  }
0x2fb: {  	s19 =	simm.s32 $0xE80;
	s20 =	sadd.s32 $0xFFFFF980, s12  }
0x2fc: {  	[hbm4b:s20+s4] =	stream.linear.scatter [tilespmem:s19], [sflag:$0x4], $0x80, $0x38;
	[tilespmem:$0x18100] =	vst v63  }
0x2fd: {  	s17 =	simm.s32 $0x300;
	s18 =	sadd.s32 $0xFFFFFA00, s12  }
0x2fe: {  	[hbm4b:s18+s4] =	stream.linear.scatter [tilespmem:s17], [sflag:$0x4], $0x80, $0x38;
	[tilespmem:$0x18100] =	vst v63  }
0x2ff: {  	s19 =	simm.s32 $0x700;
	s20 =	sadd.s32 $0xFFFFFA80, s12  }
0x300: {  	[hbm4b:s20+s4] =	stream.linear.scatter [tilespmem:s19], [sflag:$0x4], $0x80, $0x38;
	[tilespmem:$0x18100] =	vst v63  }
0x301: {  	s17 =	simm.s32 $0xB00;
	s18 =	sadd.s32 $0xFFFFFB00, s12  }
0x302: {  	[hbm4b:s18+s4] =	stream.linear.scatter [tilespmem:s17], [sflag:$0x4], $0x80, $0x38;
	[tilespmem:$0x18100] =	vst v63  }
0x303: {  	s19 =	simm.s32 $0xF00;
	s20 =	sadd.s32 $0xFFFFFB80, s12  }
0x304: {  	[hbm4b:s20+s4] =	stream.linear.scatter [tilespmem:s19], [sflag:$0x4], $0x80, $0x38;
	[tilespmem:$0x18100] =	vst v63  }
0x305: {  	s17 =	simm.s32 $0x380;
	s18 =	sadd.s32 $0xFFFFFC00, s12  }
0x306: {  	[hbm4b:s18+s4] =	stream.linear.scatter [tilespmem:s17], [sflag:$0x4], $0x80, $0x38;
	[tilespmem:$0x18100] =	vst v63  }
0x307: {  	s19 =	simm.s32 $0x780;
	s20 =	sadd.s32 $0xFFFFFC80, s12  }
0x308: {  	[hbm4b:s20+s4] =	stream.linear.scatter [tilespmem:s19], [sflag:$0x4], $0x80, $0x38;
	[tilespmem:$0x18100] =	vst v63  }
0x309: {  	s17 =	simm.s32 $0xB80;
	s18 =	sadd.s32 $0xFFFFFD00, s12  }
0x30a: {  	[hbm4b:s18+s4] =	stream.linear.scatter [tilespmem:s17], [sflag:$0x4], $0x80, $0x38;
	[tilespmem:$0x18100] =	vst v63  }
0x30b: {  	s19 =	simm.s32 $0xF80;
	s20 =	sadd.s32 $0xFFFFFD80, s12  }
0x30c: {  	[hbm4b:s20+s4] =	stream.linear.scatter [tilespmem:s19], [sflag:$0x4], $0x80, $0x38;
	[tilespmem:$0x18100] =	vst v63  }
0x30d: {  	s17 =	simm.s32 $0x400;
	s18 =	sadd.s32 $0xFFFFFE00, s12  }
0x30e: {  	[hbm4b:s18+s4] =	stream.linear.scatter [tilespmem:s17], [sflag:$0x4], $0x80, $0x38;
	[tilespmem:$0x18100] =	vst v63  }
0x30f: {  	s19 =	simm.s32 $0x800;
	s20 =	sadd.s32 $0xFFFFFE80, s12  }
0x310: {  	[hbm4b:s20+s4] =	stream.linear.scatter [tilespmem:s19], [sflag:$0x4], $0x80, $0x38;
	[tilespmem:$0x18100] =	vst v63  }
0x311: {  	s17 =	simm.s32 $0xC00;
	s18 =	sadd.s32 $0xFFFFFF00, s12  }
0x312: {  	[hbm4b:s18+s4] =	stream.linear.scatter [tilespmem:s17], [sflag:$0x4], $0x80, $0x38;
	[tilespmem:$0x18100] =	vst v63  }
0x313: {  	s19 =	simm.s32 $0x1000;
	s20 =	sadd.s32 $0xFFFFFF80, s12  }
0x314: {  	[hbm4b:s20+s4] =	stream.linear.scatter [tilespmem:s19], [sflag:$0x4], $0x80, $0x38;
	[tilespmem:$0x18100] =	vst v63  }
0x315: {  	s16 =	simm.s32 $0x480  }
0x316: {  	[hbm4b:s12+s4] =	stream.linear.scatter [tilespmem:s16], [sflag:$0x4], $0x80, $0x38;
	[tilespmem:$0x18100] =	vst v63  }
0x317: {  	s17 =	simm.s32 $0x880;
	s18 =	sadd.s32 $0x80, s12;
	s19 =	simm.s32 $0xC80  }
0x318: {  	[hbm4b:s18+s4] =	stream.linear.scatter [tilespmem:s17], [sflag:$0x4], $0x80, $0x38;
	[tilespmem:$0x18100] =	vst v63  }
0x319: {  	s20 =	sadd.s32 $0x100, s12;
	s16 =	simm.s32 $0x0;
	s17 =	simm.s32 $0x2080  }
0x31a: {  	[hbm4b:s20+s4] =	stream.linear.scatter [tilespmem:s19], [sflag:$0x4], $0x80, $0x38;
	[tilespmem:$0x18100] =	vst v63  }
0x31b: {  	s18 =	sadd.s32 $0x1000, s12;
	s19 =	simm.s32 $0x1080;
	s20 =	sadd.s32 $0x180, s12  }
.LBB2_8:
0x31c: {  	[hbm4b:s20+s4] =	stream.linear.scatter [tilespmem:s19], [sflag:$0x4], $0x80, $0x38;
	[tilespmem:$0x18100] =	vst v63  }
0x31d: {  	s9 =	sadd.s32 $0xFFFFF080, s17;
	s19 =	sadd.s32 $0xFFFFF200, s18;
	s16 =	sadd.s32 $0x8, s16  }
0x31e: {  	[hbm4b:s19+s4] =	stream.linear.scatter [tilespmem:s9], [sflag:$0x4], $0x80, $0x38;
	[tilespmem:$0x18100] =	vst v63  }
0x31f: {  	p0 =	slt.u32 s16, $0x38;
	s9 =	sadd.s32 $0xFFFFF480, s17;
	s19 =	sadd.s32 $0xFFFFF280, s18  }
0x320: {  	[hbm4b:s19+s4] =	stream.linear.scatter [tilespmem:s9], [sflag:$0x4], $0x80, $0x38;
	[tilespmem:$0x18100] =	vst v63  }
0x321: {  	s20 =	sadd.s32 $0xFFFFF300, s18;
	s9 =	sadd.s32 $0xFFFFF880, s17;
	s19 =	smov.u32 s17  }
0x322: {  	[hbm4b:s20+s4] =	stream.linear.scatter [tilespmem:s9], [sflag:$0x4], $0x80, $0x38;
	[tilespmem:$0x18100] =	vst v63  }
0x323: {  	s9 =	sadd.s32 $0xFFFFFC80, s17;
	s20 =	sadd.s32 $0xFFFFF380, s18  }
0x324: {  	[hbm4b:s20+s4] =	stream.linear.scatter [tilespmem:s9], [sflag:$0x4], $0x80, $0x38;
	[tilespmem:$0x18100] =	vst v63  }
0x325: {  	s9 =	sadd.s32 $0xFFFFF100, s17;
	s20 =	sadd.s32 $0xFFFFF400, s18  }
0x326: {  	[hbm4b:s20+s4] =	stream.linear.scatter [tilespmem:s9], [sflag:$0x4], $0x80, $0x38;
	[tilespmem:$0x18100] =	vst v63  }
0x327: {  	s9 =	sadd.s32 $0xFFFFF500, s17;
	s20 =	sadd.s32 $0xFFFFF480, s18  }
0x328: {  	[hbm4b:s20+s4] =	stream.linear.scatter [tilespmem:s9], [sflag:$0x4], $0x80, $0x38;
	[tilespmem:$0x18100] =	vst v63  }
0x329: {  	s9 =	sadd.s32 $0xFFFFF900, s17;
	s20 =	sadd.s32 $0xFFFFF500, s18  }
0x32a: {  	[hbm4b:s20+s4] =	stream.linear.scatter [tilespmem:s9], [sflag:$0x4], $0x80, $0x38;
	[tilespmem:$0x18100] =	vst v63  }
0x32b: {  	s9 =	sadd.s32 $0xFFFFFD00, s17;
	s20 =	sadd.s32 $0xFFFFF580, s18  }
0x32c: {  	[hbm4b:s20+s4] =	stream.linear.scatter [tilespmem:s9], [sflag:$0x4], $0x80, $0x38;
	[tilespmem:$0x18100] =	vst v63  }
0x32d: {  	s9 =	sadd.s32 $0xFFFFF180, s17;
	s20 =	sadd.s32 $0xFFFFF600, s18  }
0x32e: {  	[hbm4b:s20+s4] =	stream.linear.scatter [tilespmem:s9], [sflag:$0x4], $0x80, $0x38;
	[tilespmem:$0x18100] =	vst v63  }
0x32f: {  	s9 =	sadd.s32 $0xFFFFF580, s17;
	s20 =	sadd.s32 $0xFFFFF680, s18  }
0x330: {  	[hbm4b:s20+s4] =	stream.linear.scatter [tilespmem:s9], [sflag:$0x4], $0x80, $0x38;
	[tilespmem:$0x18100] =	vst v63  }
0x331: {  	s9 =	sadd.s32 $0xFFFFF980, s17;
	s20 =	sadd.s32 $0xFFFFF700, s18  }
0x332: {  	[hbm4b:s20+s4] =	stream.linear.scatter [tilespmem:s9], [sflag:$0x4], $0x80, $0x38;
	[tilespmem:$0x18100] =	vst v63  }
0x333: {  	s9 =	sadd.s32 $0xFFFFFD80, s17;
	s20 =	sadd.s32 $0xFFFFF780, s18  }
0x334: {  	[hbm4b:s20+s4] =	stream.linear.scatter [tilespmem:s9], [sflag:$0x4], $0x80, $0x38;
	[tilespmem:$0x18100] =	vst v63  }
0x335: {  	s9 =	sadd.s32 $0xFFFFF200, s17;
	s20 =	sadd.s32 $0xFFFFF800, s18  }
0x336: {  	[hbm4b:s20+s4] =	stream.linear.scatter [tilespmem:s9], [sflag:$0x4], $0x80, $0x38;
	[tilespmem:$0x18100] =	vst v63  }
0x337: {  	s9 =	sadd.s32 $0xFFFFF600, s17;
	s20 =	sadd.s32 $0xFFFFF880, s18  }
0x338: {  	[hbm4b:s20+s4] =	stream.linear.scatter [tilespmem:s9], [sflag:$0x4], $0x80, $0x38;
	[tilespmem:$0x18100] =	vst v63  }
0x339: {  	s9 =	sadd.s32 $0xFFFFFA00, s17;
	s20 =	sadd.s32 $0xFFFFF900, s18  }
0x33a: {  	[hbm4b:s20+s4] =	stream.linear.scatter [tilespmem:s9], [sflag:$0x4], $0x80, $0x38;
	[tilespmem:$0x18100] =	vst v63  }
0x33b: {  	s9 =	sadd.s32 $0xFFFFFE00, s17;
	s20 =	sadd.s32 $0xFFFFF980, s18  }
0x33c: {  	[hbm4b:s20+s4] =	stream.linear.scatter [tilespmem:s9], [sflag:$0x4], $0x80, $0x38;
	[tilespmem:$0x18100] =	vst v63  }
0x33d: {  	s9 =	sadd.s32 $0xFFFFF280, s17;
	s20 =	sadd.s32 $0xFFFFFA00, s18  }
0x33e: {  	[hbm4b:s20+s4] =	stream.linear.scatter [tilespmem:s9], [sflag:$0x4], $0x80, $0x38;
	[tilespmem:$0x18100] =	vst v63  }
0x33f: {  	s9 =	sadd.s32 $0xFFFFF680, s17;
	s20 =	sadd.s32 $0xFFFFFA80, s18  }
0x340: {  	[hbm4b:s20+s4] =	stream.linear.scatter [tilespmem:s9], [sflag:$0x4], $0x80, $0x38;
	[tilespmem:$0x18100] =	vst v63  }
0x341: {  	s9 =	sadd.s32 $0xFFFFFA80, s17;
	s20 =	sadd.s32 $0xFFFFFB00, s18  }
0x342: {  	[hbm4b:s20+s4] =	stream.linear.scatter [tilespmem:s9], [sflag:$0x4], $0x80, $0x38;
	[tilespmem:$0x18100] =	vst v63  }
0x343: {  	s9 =	sadd.s32 $0xFFFFFE80, s17;
	s20 =	sadd.s32 $0xFFFFFB80, s18  }
0x344: {  	[hbm4b:s20+s4] =	stream.linear.scatter [tilespmem:s9], [sflag:$0x4], $0x80, $0x38;
	[tilespmem:$0x18100] =	vst v63  }
0x345: {  	s9 =	sadd.s32 $0xFFFFF300, s17;
	s20 =	sadd.s32 $0xFFFFFC00, s18  }
0x346: {  	[hbm4b:s20+s4] =	stream.linear.scatter [tilespmem:s9], [sflag:$0x4], $0x80, $0x38;
	[tilespmem:$0x18100] =	vst v63  }
0x347: {  	s9 =	sadd.s32 $0xFFFFF700, s17;
	s20 =	sadd.s32 $0xFFFFFC80, s18  }
0x348: {  	[hbm4b:s20+s4] =	stream.linear.scatter [tilespmem:s9], [sflag:$0x4], $0x80, $0x38;
	[tilespmem:$0x18100] =	vst v63  }
0x349: {  	s9 =	sadd.s32 $0xFFFFFB00, s17;
	s20 =	sadd.s32 $0xFFFFFD00, s18  }
0x34a: {  	[hbm4b:s20+s4] =	stream.linear.scatter [tilespmem:s9], [sflag:$0x4], $0x80, $0x38;
	[tilespmem:$0x18100] =	vst v63  }
0x34b: {  	s9 =	sadd.s32 $0xFFFFFF00, s17;
	s20 =	sadd.s32 $0xFFFFFD80, s18  }
0x34c: {  	[hbm4b:s20+s4] =	stream.linear.scatter [tilespmem:s9], [sflag:$0x4], $0x80, $0x38;
	[tilespmem:$0x18100] =	vst v63  }
0x34d: {  	s9 =	sadd.s32 $0xFFFFF380, s17;
	s20 =	sadd.s32 $0xFFFFFE00, s18  }
0x34e: {  	[hbm4b:s20+s4] =	stream.linear.scatter [tilespmem:s9], [sflag:$0x4], $0x80, $0x38;
	[tilespmem:$0x18100] =	vst v63  }
0x34f: {  	s9 =	sadd.s32 $0xFFFFF780, s17;
	s20 =	sadd.s32 $0xFFFFFE80, s18  }
0x350: {  	[hbm4b:s20+s4] =	stream.linear.scatter [tilespmem:s9], [sflag:$0x4], $0x80, $0x38;
	[tilespmem:$0x18100] =	vst v63  }
0x351: {  	s9 =	sadd.s32 $0xFFFFFB80, s17;
	s20 =	sadd.s32 $0xFFFFFF00, s18  }
0x352: {  	[hbm4b:s20+s4] =	stream.linear.scatter [tilespmem:s9], [sflag:$0x4], $0x80, $0x38;
	[tilespmem:$0x18100] =	vst v63  }
0x353: {  	s9 =	sadd.s32 $0xFFFFFF80, s17;
	s20 =	sadd.s32 $0xFFFFFF80, s18  }
0x354: {  	[hbm4b:s20+s4] =	stream.linear.scatter [tilespmem:s9], [sflag:$0x4], $0x80, $0x38;
	[tilespmem:$0x18100] =	vst v63  }
0x355: {  	s9 =	sadd.s32 $0xFFFFF400, s17  }
0x356: {  	[hbm4b:s18+s4] =	stream.linear.scatter [tilespmem:s9], [sflag:$0x4], $0x80, $0x38;
	[tilespmem:$0x18100] =	vst v63  }
.Ltmp3:
0x357: {  	s20 =	sadd.s32 $0x80, s18;
	s9 =	sadd.s32 $0xFFFFF800, s17;
	(pc) =	sbr.rel @p0 .LBB2_8-.Ltmp3, $4  }
0x358: {  	[hbm4b:s20+s4] =	stream.linear.scatter [tilespmem:s9], [sflag:$0x4], $0x80, $0x38;
	[tilespmem:$0x18100] =	vst v63  }
0x359: {  	s9 =	sadd.s32 $0xFFFFFC00, s17;
	s20 =	sadd.s32 $0x100, s18  }
0x35a: {  	[hbm4b:s20+s4] =	stream.linear.scatter [tilespmem:s9], [sflag:$0x4], $0x80, $0x38;
	[tilespmem:$0x18100] =	vst v63  }
0x35b: {  	s17 =	sadd.s32 $0x1000, s17;
	s20 =	sadd.s32 $0x180, s18;
	s18 =	sadd.s32 $0x1000, s18  }
0x35c: {  	[hbm4b:s20+s4] =	stream.linear.scatter [tilespmem:s19], [sflag:$0x4], $0x80, $0x38;
	[tilespmem:$0x18100] =	vst v63  }
0x35d: {  	_ =	swait.ge [sflag:s14], $0x8000  }
0x35e: {  	[sflag:s14] =	ssyncset.done $0x0  }
0x35f: {  	[sflag:s14] =	ssyncadd.s32 $0xFFFF8000  }
0x360: {  	_ =	swait.ge [sflag:s15], $0x8000  }
0x361: {  	[sflag:s15] =	ssyncset.done $0x0  }
0x362: {  	[sflag:s15] =	ssyncadd.s32 $0xFFFF8000  }
0x363: {  	_ =	swait.ge [sflag:s0], $0x8000  }
0x364: {  	s7 =	sadd.s32 $0x1, s7;
	s9 =	rddreg [dreg:$0x6]  }
0x365: {  	p0 =	sne.s32 s7, s9  }
.Ltmp4:
0x366: {  	_ = 	snop;
	(pc) =	sbr.rel @p0 .LBB2_1-.Ltmp4, $3  }
0x367: {  	_ =	sdelay $0x1  }
0x368: {  	[sflag:s0] =	ssyncset.done $0x0  }
0x369: {  	[sflag:s0] =	ssyncadd.s32 $0xFFFF8000  }
0x36a: {  	_ =	sfence.sel $0x180000  }
0x36b: {  	[bflag:$0x0] =	sbarrier.arrive $0xFFFF  }
0x36c: {  	_ =	strace $0x90000047  }
0x36d: {  	s0 =	stileid.u32;
	[bflag:$0x2] =	sbarrier.arrive $0xFFFF  }
0x36e: {  	p0 =	sne.s32 s0, $0x0;
	s0 =	rddreg [dreg:$0x3]  }
0x36f: {  	s0 =	sadd.s32 @!p0 $0x100000, s0  }
0x370: {  	[sflag:s0] =	ssyncadd.tile.s32 @!p0 $0x1;
	_ =	shalt  }
.Lfunc_end2:
_tile_overlayer_lowered:
.L_overlay_start_2:
0x371: {  	(tag) =	ssettag $0x2  }
0x372: {  	s0 =	rddreg [dreg:$0x0];
	s2 =	stileid.u32  }
0x373: {  	s1 =	rddreg [dreg:$0x1];
	p0 =	sne.s32 s2, $0x0  }
0x374: {  	s3 =	rddreg [dreg:$0x2];
	[bflag:$0x3] =	sbarrier.arrive $0xFFFF;
	s2 =	simm.s32 @!p0 $0x1C07  }
0x375: {  	[timem:s3], [sflag:s2] =	dma.local @!p0 [hbm:s0], s1  }
0x376: {  	s0 =	simm.s32 @!p0 $0x7  }
0x377: {  	_ =	swait.ge @!p0 [sflag:s0], s1  }
0x378: {  	s1 =	ssub.s32 @!p0 $0x0, s1;
	[sflag:s0] =	ssyncset.done @!p0 $0x0  }
0x379: {  	[sflag:s0] =	ssyncadd.s32 @!p0 s1  }
0x37a: {  	[bflag:$0x3] =	sbarrier.arrive $0xFFFF  }
0x37b: {  	_ =	shalt  }

</sc_bundles>
